<compile_context>
chip_gen: v7x
topology: tpu7x:2x2x1
jax: 0.10.2.dev20260603
libtpu: 0.0.44.dev20260713+nightly
codegen_flags: <defaults>
</compile_context>

<pallas_src>
import functools

import jax
import jax.numpy as jnp
from jax import lax
from jax.experimental import pallas as pl
from jax.experimental.pallas import tpu as pltpu
from jax.experimental.pallas import tpu_sc as plsc

E = 64
H = 1024
I = 512
T = 2048
BT = 64
RB = 256
NB = 96
P = NB * BT
NW = 32
BPW = T // NW


NBLK = T // RB


def _route_body(x_ref, gw_ref, dest_ref, bexp_ref, nbu_ref,
                cnt_acc, pad_off, idx_s, rank_s):
    i = pl.program_id(0)

    @pl.when(i == 0)
    def _():
        cnt_acc[...] = jnp.zeros_like(cnt_acc)

    lane = jax.lax.broadcasted_iota(jnp.int32, (RB, E), 1)

    @pl.when(i < NBLK)
    def _():
        x = x_ref[...]
        logits = jax.lax.dot_general(x, gw_ref[...], (((1,), (1,)), ((), ())),
                                     preferred_element_type=jnp.float32)
        m = jnp.max(logits, axis=1, keepdims=True)
        idx = jnp.min(jnp.where(logits >= m, lane, E), axis=1, keepdims=True)

        onehot = (lane == idx).astype(jnp.float32)
        r = jax.lax.broadcasted_iota(jnp.int32, (RB, RB), 0)
        c = jax.lax.broadcasted_iota(jnp.int32, (RB, RB), 1)
        ltri = (c < r).astype(jnp.float32)
        prior = jax.lax.dot_general(ltri, onehot, (((1,), (0,)), ((), ())),
                                    preferred_element_type=jnp.float32)
        prior = prior + cnt_acc[...]
        rank = jnp.sum(prior * onehot, axis=1, keepdims=True)

        cnt_acc[...] = cnt_acc[...] + jnp.sum(onehot, axis=0, keepdims=True)
        idx_s[pl.ds(i * RB, RB), :] = idx
        rank_s[pl.ds(i * RB, RB), :] = rank.astype(jnp.int32)

    @pl.when(i == NBLK)
    def _():
        c = cnt_acc[...]
        nblk = jnp.floor((c + (BT - 1)) * (1.0 / BT))
        ut = (jax.lax.broadcasted_iota(jnp.int32, (E, E), 0)
              <= jax.lax.broadcasted_iota(jnp.int32, (E, E), 1))
        blk_end = jax.lax.dot_general(nblk, ut.astype(jnp.float32),
                                      (((1,), (0,)), ((), ())),
                                      preferred_element_type=jnp.float32)
        pad_off[...] = (blk_end - nblk) * BT
        nbu = blk_end[0, E - 1].astype(jnp.int32)
        nbu_ref[...] = jnp.full((1, 1), nbu, jnp.int32)
        j = jnp.minimum(jax.lax.broadcasted_iota(jnp.int32, (NB, E), 0),
                        nbu - 1).astype(jnp.float32)
        bexp_ref[...] = jnp.sum(
            jnp.where(jnp.broadcast_to(blk_end, (NB, E)) <= j, 1, 0),
            axis=1, keepdims=True).astype(jnp.int32)

    @pl.when(i >= NBLK)
    def _():
        jb = (i - NBLK) * RB
        onehot = (lane == idx_s[pl.ds(jb, RB), :]).astype(jnp.float32)
        off = jax.lax.dot_general(onehot, pad_off[...], (((1,), (1,)), ((), ())),
                                  preferred_element_type=jnp.float32)
        dest_ref[...] = off.astype(jnp.int32) + rank_s[pl.ds(jb, RB), :]


def _route(x, gate_weight):
    return pl.pallas_call(
        _route_body,
        grid=(2 * NBLK,),
        in_specs=[
            pl.BlockSpec((RB, H), lambda i: (jnp.minimum(i, NBLK - 1), 0)),
            pl.BlockSpec((E, H), lambda i: (0, 0)),
        ],
        out_specs=[
            pl.BlockSpec((RB, 1), lambda i: (jnp.maximum(i - NBLK, 0), 0)),
            pl.BlockSpec((NB, 1), lambda i: (0, 0)),
            pl.BlockSpec((1, 1), lambda i: (0, 0)),
        ],
        out_shape=[
            jax.ShapeDtypeStruct((T, 1), jnp.int32),
            jax.ShapeDtypeStruct((NB, 1), jnp.int32),
            jax.ShapeDtypeStruct((1, 1), jnp.int32),
        ],
        scratch_shapes=[
            pltpu.VMEM((1, E), jnp.float32),
            pltpu.VMEM((1, E), jnp.float32),
            pltpu.VMEM((T, 1), jnp.int32),
            pltpu.VMEM((T, 1), jnp.int32),
        ],
    )(x, gate_weight)


def _sc_mesh():
    return plsc.VectorSubcoreMesh(core_axis_name="c", subcore_axis_name="s")


NCH = 2
CH = BPW // NCH


def _sc_scratch():
    return ([pltpu.VMEM((CH,), jnp.int32) for _ in range(NCH)]
            + [pltpu.VMEM((CH, H), jnp.float32) for _ in range(NCH)]
            + [pltpu.SemaphoreType.DMA for _ in range(2 * NCH)])


def _dispatch(x, dest):
    @functools.partial(
        pl.kernel,
        mesh=_sc_mesh(),
        out_type=jax.ShapeDtypeStruct((P, H), jnp.float32),
        scratch_types=_sc_scratch(),
    )
    def k(x_hbm, dest_hbm, xs_hbm, *s):
        idx_v, rows_v = s[:NCH], s[NCH:2 * NCH]
        sem_r, sem_w = s[2 * NCH:2 * NCH + NCH], s[2 * NCH + NCH:]
        wid = lax.axis_index("s") * 2 + lax.axis_index("c")
        base = wid * BPW
        for c in range(NCH):
            pltpu.sync_copy(dest_hbm.at[pl.ds(base + c * CH, CH)], idx_v[c])
        rd = [pltpu.async_copy(x_hbm.at[pl.ds(base + c * CH, CH)], rows_v[c],
                               sem_r[c]) for c in range(NCH)]
        wr = []
        for c in range(NCH):
            rd[c].wait()
            wr.append(pltpu.async_copy(rows_v[c], xs_hbm.at[idx_v[c]],
                                       sem_w[c]))
        for w in wr:
            w.wait()

    return k(x, dest)


def _combine(out_p, dest):
    @functools.partial(
        pl.kernel,
        mesh=_sc_mesh(),
        out_type=jax.ShapeDtypeStruct((T, H), jnp.float32),
        scratch_types=_sc_scratch(),
    )
    def k(op_hbm, dest_hbm, out_hbm, *s):
        idx_v, rows_v = s[:NCH], s[NCH:2 * NCH]
        sem_g, sem_w = s[2 * NCH:2 * NCH + NCH], s[2 * NCH + NCH:]
        wid = lax.axis_index("s") * 2 + lax.axis_index("c")
        base = wid * BPW
        for c in range(NCH):
            pltpu.sync_copy(dest_hbm.at[pl.ds(base + c * CH, CH)], idx_v[c])
        g = [pltpu.async_copy(op_hbm.at[idx_v[c]], rows_v[c], sem_g[c])
             for c in range(NCH)]
        wr = []
        for c in range(NCH):
            g[c].wait()
            wr.append(pltpu.async_copy(rows_v[c],
                                       out_hbm.at[pl.ds(base + c * CH, CH)],
                                       sem_w[c]))
        for w in wr:
            w.wait()

    return k(out_p, dest)


def _gemm_body(bexp_ref, nbu_ref, x_ref, wg_ref, wu_ref, wd_ref, o_ref):
    i = pl.program_id(0)

    @pl.when(i < nbu_ref[0])
    def _():
        x = x_ref[...]
        g = jax.lax.dot_general(x, wg_ref[0], (((1,), (1,)), ((), ())),
                                preferred_element_type=jnp.float32)
        u = jax.lax.dot_general(x, wu_ref[0], (((1,), (1,)), ((), ())),
                                preferred_element_type=jnp.float32)
        h1 = g * jax.lax.logistic(g) * u
        o_ref[...] = jax.lax.dot_general(h1, wd_ref[0], (((1,), (1,)), ((), ())),
                                         preferred_element_type=jnp.float32)


def _gemm_specs():
    def tok_map(i, be, nu):
        return (jnp.minimum(i, nu[0] - 1), 0)

    def w_map(i, be, nu):
        return (be[i], 0, 0)

    return pltpu.PrefetchScalarGridSpec(
        num_scalar_prefetch=2,
        grid=(NB,),
        in_specs=[
            pl.BlockSpec((BT, H), tok_map),
            pl.BlockSpec((1, I, H), w_map),
            pl.BlockSpec((1, I, H), w_map),
            pl.BlockSpec((1, H, I), w_map),
        ],
        out_specs=pl.BlockSpec((BT, H), tok_map),
    )


def _grouped_gemm(xs, gate_proj, up_proj, down_proj, block_expert, nb_used):
    return pl.pallas_call(
        _gemm_body,
        grid_spec=_gemm_specs(),
        out_shape=jax.ShapeDtypeStruct((P, H), jnp.float32),
    )(block_expert, nb_used, xs, gate_proj, up_proj, down_proj)


@jax.jit
def kernel(hidden_states, gate_weight, gate_proj, up_proj, down_proj):
    b, s, h = hidden_states.shape
    x = hidden_states.reshape(T, H)

    dest2, bexp2, nbu2 = _route(x, gate_weight)
    dest = dest2.reshape(T)

    xs = _dispatch(x, dest)
    out_p = _grouped_gemm(xs, gate_proj, up_proj, down_proj,
                          bexp2.reshape(NB), nbu2.reshape(1))
    out = _combine(out_p, dest)
    return out.reshape(b, s, h)

# --- scband reference (transcript-rebuilt; emitter-appended) ---
"""Pipeline reference for scband-lla-da2-moe-sparse-moe-block-27161373179909 (READ-ONLY COPY).

The authoritative reference and input builder live on the scoring server;
editing this copy changes nothing except your own understanding.
"""

import jax, jax.numpy as jnp
import numpy as np

NUM_EXPERTS = 64
TOP_K = 1
HIDDEN = 1024
INTER = 512
BATCH = 1
SEQ = 2048


def setup_inputs(seed: int = 0):
    key = jax.random.key(seed)
    k1, k2, k3, k4, k5 = jax.random.split(key, 5)
    hidden_states = jax.random.normal(k1, (BATCH, SEQ, HIDDEN), dtype=jnp.float32)
    gate_weight = jax.random.normal(k2, (NUM_EXPERTS, HIDDEN), dtype=jnp.float32) * 0.02
    gate_proj = jax.random.normal(k3, (NUM_EXPERTS, INTER, HIDDEN), dtype=jnp.float32) * 0.02
    up_proj = jax.random.normal(k4, (NUM_EXPERTS, INTER, HIDDEN), dtype=jnp.float32) * 0.02
    down_proj = jax.random.normal(k5, (NUM_EXPERTS, HIDDEN, INTER), dtype=jnp.float32) * 0.02
    return {"hidden_states": hidden_states, "gate_weight": gate_weight, "gate_proj": gate_proj, "up_proj": up_proj, "down_proj": down_proj}


def reference(hidden_states, gate_weight, gate_proj, up_proj, down_proj):
    b, s, h = hidden_states.shape
    x = hidden_states.reshape(-1, h)
    # router / gate: logits -> softmax -> top-k -> renormalize (norm_topk_prob=True)
    logits = x @ gate_weight.T
    scores = jax.nn.softmax(logits, axis=-1)
    topk_w, topk_idx = jax.lax.top_k(scores, TOP_K)
    topk_w = topk_w / jnp.sum(topk_w, axis=-1, keepdims=True)
    out = jnp.zeros_like(x)
    # expert loop, matching the non-fused fallback in fused_moe_forward
    def body(e, out):
        ew = jnp.sum(jnp.where(topk_idx == e, topk_w, 0.0), axis=-1)
        g = jax.nn.silu(x @ gate_proj[e].T)
        u = x @ up_proj[e].T
        eo = (g * u) @ down_proj[e].T
        return out + eo * ew[:, None]
    out = jax.lax.fori_loop(0, NUM_EXPERTS, body, out)
    return out.reshape(b, s, h)

if __name__ == "__main__":
    import jax
    _d = setup_inputs()
    print(jax.jit(kernel)(*tuple(_d.values())))

</pallas_src>

<mosaic_0001>
#map = affine_map<(d0, d1) -> (0, 0)>
#map1 = affine_map<(d0, d1) -> (0)>
module attributes {stable_mosaic.version = 14 : i64} {
  func.func @k(%arg0: i32, %arg1: i32, %arg2: memref<2048x1024xf32, #tpu.memory_space<hbm>>, %arg3: memref<2048xi32, #tpu.memory_space<hbm>>, %arg4: memref<6144x1024xf32, #tpu.memory_space<hbm>>, %arg5: memref<32xi32, #tpu.memory_space<vmem>>, %arg6: memref<32xi32, #tpu.memory_space<vmem>>, %arg7: memref<32x1024xf32, #tpu.memory_space<vmem>>, %arg8: memref<32x1024xf32, #tpu.memory_space<vmem>>, %arg9: memref<!tpu.dma_semaphore, #tpu.memory_space<semaphore_mem>>, %arg10: memref<!tpu.dma_semaphore, #tpu.memory_space<semaphore_mem>>, %arg11: memref<!tpu.dma_semaphore, #tpu.memory_space<semaphore_mem>>, %arg12: memref<!tpu.dma_semaphore, #tpu.memory_space<semaphore_mem>>) attributes {dimension_semantics = [#tpu.dimension_semantics<core_parallel>, #tpu.dimension_semantics<subcore_parallel>], iteration_bounds = array<i64: 2, 16>, scalar_prefetch = 0 : i64, scratch_operands = 8 : i64, tpu.core_type = #tpu.core_type<sc_vector_subcore>, window_params = [{transform_indices = #map}, {transform_indices = #map1}, {transform_indices = #map}]} {
    %mul3A = arith.constant 2 : i32
    %mul3A_0 = arith.muli %arg1, %mul3A : i32
    %add3A = arith.addi %mul3A_0, %arg0 : i32
    %mul3A_1 = arith.constant 64 : i32
    %mul3A_2 = arith.muli %add3A, %mul3A_1 : i32
    %add3A_3 = arith.constant 0 : i32
    %add3A_4 = arith.addi %mul3A_2, %add3A_3 : i32
    "tpu.region"() ({
      %run_scoped3A = tpu.sem_alloc : memref<!tpu.dma_semaphore, #tpu.memory_space<semaphore_mem>>
      %dma_start3A_37 = tpu.memref_slice %arg3[%add3A_4] : memref<2048xi32, #tpu.memory_space<hbm>> -> memref<32xi32, #tpu.memory_space<hbm>>
      %dma_start3A_38 = tpu.memref_slice %arg3[%add3A_4] : memref<2048xi32, #tpu.memory_space<hbm>> -> memref<32xi32, #tpu.memory_space<hbm>>
      tpu.enqueue_dma source(%dma_start3A_38 : memref<32xi32, #tpu.memory_space<hbm>>) target(%arg5 : memref<32xi32, #tpu.memory_space<vmem>>) target_semaphore(%run_scoped3A : memref<!tpu.dma_semaphore, #tpu.memory_space<semaphore_mem>>)
      %dma_wait3A_39 = tpu.memref_slice %arg3[%add3A_4] : memref<2048xi32, #tpu.memory_space<hbm>> -> memref<32xi32, #tpu.memory_space<hbm>>
      %dma_wait3A_40 = tpu.memref_slice %arg3[%add3A_4] : memref<2048xi32, #tpu.memory_space<hbm>> -> memref<32xi32, #tpu.memory_space<hbm>>
      tpu.wait_dma2 semaphore(%run_scoped3A : memref<!tpu.dma_semaphore, #tpu.memory_space<semaphore_mem>>) src(%dma_wait3A_40 : memref<32xi32, #tpu.memory_space<hbm>>) dst(%arg5 : memref<32xi32, #tpu.memory_space<vmem>>)
      tpu.yield
    }) : () -> ()
    %add3A_5 = arith.constant 32 : i32
    %add3A_6 = arith.addi %mul3A_2, %add3A_5 : i32
    "tpu.region"() ({
      %run_scoped3A = tpu.sem_alloc : memref<!tpu.dma_semaphore, #tpu.memory_space<semaphore_mem>>
      %dma_start3A_37 = tpu.memref_slice %arg3[%add3A_6] : memref<2048xi32, #tpu.memory_space<hbm>> -> memref<32xi32, #tpu.memory_space<hbm>>
      %dma_start3A_38 = tpu.memref_slice %arg3[%add3A_6] : memref<2048xi32, #tpu.memory_space<hbm>> -> memref<32xi32, #tpu.memory_space<hbm>>
      tpu.enqueue_dma source(%dma_start3A_38 : memref<32xi32, #tpu.memory_space<hbm>>) target(%arg6 : memref<32xi32, #tpu.memory_space<vmem>>) target_semaphore(%run_scoped3A : memref<!tpu.dma_semaphore, #tpu.memory_space<semaphore_mem>>)
      %dma_wait3A_39 = tpu.memref_slice %arg3[%add3A_6] : memref<2048xi32, #tpu.memory_space<hbm>> -> memref<32xi32, #tpu.memory_space<hbm>>
      %dma_wait3A_40 = tpu.memref_slice %arg3[%add3A_6] : memref<2048xi32, #tpu.memory_space<hbm>> -> memref<32xi32, #tpu.memory_space<hbm>>
      tpu.wait_dma2 semaphore(%run_scoped3A : memref<!tpu.dma_semaphore, #tpu.memory_space<semaphore_mem>>) src(%dma_wait3A_40 : memref<32xi32, #tpu.memory_space<hbm>>) dst(%arg6 : memref<32xi32, #tpu.memory_space<vmem>>)
      tpu.yield
    }) : () -> ()
    %add3A_7 = arith.constant 0 : i32
    %add3A_8 = arith.addi %mul3A_2, %add3A_7 : i32
    %dma_start3A = arith.constant 0 : i32
    %dma_start3A_9 = tpu.memref_slice %arg2[%add3A_8, %dma_start3A] : memref<2048x1024xf32, #tpu.memory_space<hbm>> -> memref<32x1024xf32, #tpu.memory_space<hbm>>
    %dma_start3A_10 = arith.constant 0 : i32
    %dma_start3A_11 = tpu.memref_slice %arg2[%add3A_8, %dma_start3A_10] : memref<2048x1024xf32, #tpu.memory_space<hbm>> -> memref<32x1024xf32, #tpu.memory_space<hbm>>
    tpu.enqueue_dma source(%dma_start3A_11 : memref<32x1024xf32, #tpu.memory_space<hbm>>) target(%arg7 : memref<32x1024xf32, #tpu.memory_space<vmem>>) target_semaphore(%arg9 : memref<!tpu.dma_semaphore, #tpu.memory_space<semaphore_mem>>)
    %add3A_12 = arith.constant 32 : i32
    %add3A_13 = arith.addi %mul3A_2, %add3A_12 : i32
    %dma_start3A_14 = arith.constant 0 : i32
    %dma_start3A_15 = tpu.memref_slice %arg2[%add3A_13, %dma_start3A_14] : memref<2048x1024xf32, #tpu.memory_space<hbm>> -> memref<32x1024xf32, #tpu.memory_space<hbm>>
    %dma_start3A_16 = arith.constant 0 : i32
    %dma_start3A_17 = tpu.memref_slice %arg2[%add3A_13, %dma_start3A_16] : memref<2048x1024xf32, #tpu.memory_space<hbm>> -> memref<32x1024xf32, #tpu.memory_space<hbm>>
    tpu.enqueue_dma source(%dma_start3A_17 : memref<32x1024xf32, #tpu.memory_space<hbm>>) target(%arg8 : memref<32x1024xf32, #tpu.memory_space<vmem>>) target_semaphore(%arg10 : memref<!tpu.dma_semaphore, #tpu.memory_space<semaphore_mem>>)
    %dma_wait3A = arith.constant 0 : i32
    %dma_wait3A_18 = tpu.memref_slice %arg2[%add3A_8, %dma_wait3A] : memref<2048x1024xf32, #tpu.memory_space<hbm>> -> memref<32x1024xf32, #tpu.memory_space<hbm>>
    %dma_wait3A_19 = arith.constant 0 : i32
    %dma_wait3A_20 = tpu.memref_slice %arg2[%add3A_8, %dma_wait3A_19] : memref<2048x1024xf32, #tpu.memory_space<hbm>> -> memref<32x1024xf32, #tpu.memory_space<hbm>>
    tpu.wait_dma2 semaphore(%arg9 : memref<!tpu.dma_semaphore, #tpu.memory_space<semaphore_mem>>) src(%dma_wait3A_20 : memref<32x1024xf32, #tpu.memory_space<hbm>>) dst(%arg7 : memref<32x1024xf32, #tpu.memory_space<vmem>>)
    %dma_start3A_21 = arith.constant 0 : i32
    %dma_start3A_22 = arith.constant 0 : i32
    %dma_start3A_23 = tpu.memref_slice %arg4[%dma_start3A_21, %dma_start3A_22] : memref<6144x1024xf32, #tpu.memory_space<hbm>> -> memref<6144x1024xf32, #tpu.memory_space<hbm>>
    tpu.enqueue_indirect_dma source(%arg7 : memref<32x1024xf32, #tpu.memory_space<vmem>>) target(%dma_start3A_23 : memref<6144x1024xf32, #tpu.memory_space<hbm>>) offsets(%arg5 : memref<32xi32, #tpu.memory_space<vmem>>) semaphore(%arg11 : memref<!tpu.dma_semaphore, #tpu.memory_space<semaphore_mem>>)
    %dma_wait3A_24 = arith.constant 0 : i32
    %dma_wait3A_25 = tpu.memref_slice %arg2[%add3A_13, %dma_wait3A_24] : memref<2048x1024xf32, #tpu.memory_space<hbm>> -> memref<32x1024xf32, #tpu.memory_space<hbm>>
    %dma_wait3A_26 = arith.constant 0 : i32
    %dma_wait3A_27 = tpu.memref_slice %arg2[%add3A_13, %dma_wait3A_26] : memref<2048x1024xf32, #tpu.memory_space<hbm>> -> memref<32x1024xf32, #tpu.memory_space<hbm>>
    tpu.wait_dma2 semaphore(%arg10 : memref<!tpu.dma_semaphore, #tpu.memory_space<semaphore_mem>>) src(%dma_wait3A_27 : memref<32x1024xf32, #tpu.memory_space<hbm>>) dst(%arg8 : memref<32x1024xf32, #tpu.memory_space<vmem>>)
    %dma_start3A_28 = arith.constant 0 : i32
    %dma_start3A_29 = arith.constant 0 : i32
    %dma_start3A_30 = tpu.memref_slice %arg4[%dma_start3A_28, %dma_start3A_29] : memref<6144x1024xf32, #tpu.memory_space<hbm>> -> memref<6144x1024xf32, #tpu.memory_space<hbm>>
    tpu.enqueue_indirect_dma source(%arg8 : memref<32x1024xf32, #tpu.memory_space<vmem>>) target(%dma_start3A_30 : memref<6144x1024xf32, #tpu.memory_space<hbm>>) offsets(%arg6 : memref<32xi32, #tpu.memory_space<vmem>>) semaphore(%arg12 : memref<!tpu.dma_semaphore, #tpu.memory_space<semaphore_mem>>)
    %dma_wait3A_31 = arith.constant 0 : i32
    %dma_wait3A_32 = arith.constant 0 : i32
    %dma_wait3A_33 = tpu.memref_slice %arg4[%dma_wait3A_31, %dma_wait3A_32] : memref<6144x1024xf32, #tpu.memory_space<hbm>> -> memref<6144x1024xf32, #tpu.memory_space<hbm>>
    tpu.wait_indirect_dma semaphore(%arg11 : memref<!tpu.dma_semaphore, #tpu.memory_space<semaphore_mem>>) src(%arg7 : memref<32x1024xf32, #tpu.memory_space<vmem>>) dst(%dma_wait3A_33 : memref<6144x1024xf32, #tpu.memory_space<hbm>>)
    %dma_wait3A_34 = arith.constant 0 : i32
    %dma_wait3A_35 = arith.constant 0 : i32
    %dma_wait3A_36 = tpu.memref_slice %arg4[%dma_wait3A_34, %dma_wait3A_35] : memref<6144x1024xf32, #tpu.memory_space<hbm>> -> memref<6144x1024xf32, #tpu.memory_space<hbm>>
    tpu.wait_indirect_dma semaphore(%arg12 : memref<!tpu.dma_semaphore, #tpu.memory_space<semaphore_mem>>) src(%arg8 : memref<32x1024xf32, #tpu.memory_space<vmem>>) dst(%dma_wait3A_36 : memref<6144x1024xf32, #tpu.memory_space<hbm>>)
    return
  }
}

#map = affine_map<(d0, d1) -> (0, 0)>
#map1 = affine_map<(d0, d1) -> (0)>
module attributes {stable_mosaic.version = 14 : i64} {
  func.func @k(%arg0: i32, %arg1: i32, %arg2: memref<6144x1024xf32, #tpu.memory_space<hbm>>, %arg3: memref<2048xi32, #tpu.memory_space<hbm>>, %arg4: memref<2048x1024xf32, #tpu.memory_space<hbm>>, %arg5: memref<32xi32, #tpu.memory_space<vmem>>, %arg6: memref<32xi32, #tpu.memory_space<vmem>>, %arg7: memref<32x1024xf32, #tpu.memory_space<vmem>>, %arg8: memref<32x1024xf32, #tpu.memory_space<vmem>>, %arg9: memref<!tpu.dma_semaphore, #tpu.memory_space<semaphore_mem>>, %arg10: memref<!tpu.dma_semaphore, #tpu.memory_space<semaphore_mem>>, %arg11: memref<!tpu.dma_semaphore, #tpu.memory_space<semaphore_mem>>, %arg12: memref<!tpu.dma_semaphore, #tpu.memory_space<semaphore_mem>>) attributes {dimension_semantics = [#tpu.dimension_semantics<core_parallel>, #tpu.dimension_semantics<subcore_parallel>], iteration_bounds = array<i64: 2, 16>, scalar_prefetch = 0 : i64, scratch_operands = 8 : i64, tpu.core_type = #tpu.core_type<sc_vector_subcore>, window_params = [{transform_indices = #map}, {transform_indices = #map1}, {transform_indices = #map}]} {
    %mul3A = arith.constant 2 : i32
    %mul3A_0 = arith.muli %arg1, %mul3A : i32
    %add3A = arith.addi %mul3A_0, %arg0 : i32
    %mul3A_1 = arith.constant 64 : i32
    %mul3A_2 = arith.muli %add3A, %mul3A_1 : i32
    %add3A_3 = arith.constant 0 : i32
    %add3A_4 = arith.addi %mul3A_2, %add3A_3 : i32
    "tpu.region"() ({
      %run_scoped3A = tpu.sem_alloc : memref<!tpu.dma_semaphore, #tpu.memory_space<semaphore_mem>>
      %dma_start3A_37 = tpu.memref_slice %arg3[%add3A_4] : memref<2048xi32, #tpu.memory_space<hbm>> -> memref<32xi32, #tpu.memory_space<hbm>>
      %dma_start3A_38 = tpu.memref_slice %arg3[%add3A_4] : memref<2048xi32, #tpu.memory_space<hbm>> -> memref<32xi32, #tpu.memory_space<hbm>>
      tpu.enqueue_dma source(%dma_start3A_38 : memref<32xi32, #tpu.memory_space<hbm>>) target(%arg5 : memref<32xi32, #tpu.memory_space<vmem>>) target_semaphore(%run_scoped3A : memref<!tpu.dma_semaphore, #tpu.memory_space<semaphore_mem>>)
      %dma_wait3A_39 = tpu.memref_slice %arg3[%add3A_4] : memref<2048xi32, #tpu.memory_space<hbm>> -> memref<32xi32, #tpu.memory_space<hbm>>
      %dma_wait3A_40 = tpu.memref_slice %arg3[%add3A_4] : memref<2048xi32, #tpu.memory_space<hbm>> -> memref<32xi32, #tpu.memory_space<hbm>>
      tpu.wait_dma2 semaphore(%run_scoped3A : memref<!tpu.dma_semaphore, #tpu.memory_space<semaphore_mem>>) src(%dma_wait3A_40 : memref<32xi32, #tpu.memory_space<hbm>>) dst(%arg5 : memref<32xi32, #tpu.memory_space<vmem>>)
      tpu.yield
    }) : () -> ()
    %add3A_5 = arith.constant 32 : i32
    %add3A_6 = arith.addi %mul3A_2, %add3A_5 : i32
    "tpu.region"() ({
      %run_scoped3A = tpu.sem_alloc : memref<!tpu.dma_semaphore, #tpu.memory_space<semaphore_mem>>
      %dma_start3A_37 = tpu.memref_slice %arg3[%add3A_6] : memref<2048xi32, #tpu.memory_space<hbm>> -> memref<32xi32, #tpu.memory_space<hbm>>
      %dma_start3A_38 = tpu.memref_slice %arg3[%add3A_6] : memref<2048xi32, #tpu.memory_space<hbm>> -> memref<32xi32, #tpu.memory_space<hbm>>
      tpu.enqueue_dma source(%dma_start3A_38 : memref<32xi32, #tpu.memory_space<hbm>>) target(%arg6 : memref<32xi32, #tpu.memory_space<vmem>>) target_semaphore(%run_scoped3A : memref<!tpu.dma_semaphore, #tpu.memory_space<semaphore_mem>>)
      %dma_wait3A_39 = tpu.memref_slice %arg3[%add3A_6] : memref<2048xi32, #tpu.memory_space<hbm>> -> memref<32xi32, #tpu.memory_space<hbm>>
      %dma_wait3A_40 = tpu.memref_slice %arg3[%add3A_6] : memref<2048xi32, #tpu.memory_space<hbm>> -> memref<32xi32, #tpu.memory_space<hbm>>
      tpu.wait_dma2 semaphore(%run_scoped3A : memref<!tpu.dma_semaphore, #tpu.memory_space<semaphore_mem>>) src(%dma_wait3A_40 : memref<32xi32, #tpu.memory_space<hbm>>) dst(%arg6 : memref<32xi32, #tpu.memory_space<vmem>>)
      tpu.yield
    }) : () -> ()
    %dma_start3A = arith.constant 0 : i32
    %dma_start3A_7 = arith.constant 0 : i32
    %dma_start3A_8 = tpu.memref_slice %arg2[%dma_start3A, %dma_start3A_7] : memref<6144x1024xf32, #tpu.memory_space<hbm>> -> memref<6144x1024xf32, #tpu.memory_space<hbm>>
    tpu.enqueue_indirect_dma source(%dma_start3A_8 : memref<6144x1024xf32, #tpu.memory_space<hbm>>) target(%arg7 : memref<32x1024xf32, #tpu.memory_space<vmem>>) offsets(%arg5 : memref<32xi32, #tpu.memory_space<vmem>>) semaphore(%arg9 : memref<!tpu.dma_semaphore, #tpu.memory_space<semaphore_mem>>)
    %dma_start3A_9 = arith.constant 0 : i32
    %dma_start3A_10 = arith.constant 0 : i32
    %dma_start3A_11 = tpu.memref_slice %arg2[%dma_start3A_9, %dma_start3A_10] : memref<6144x1024xf32, #tpu.memory_space<hbm>> -> memref<6144x1024xf32, #tpu.memory_space<hbm>>
    tpu.enqueue_indirect_dma source(%dma_start3A_11 : memref<6144x1024xf32, #tpu.memory_space<hbm>>) target(%arg8 : memref<32x1024xf32, #tpu.memory_space<vmem>>) offsets(%arg6 : memref<32xi32, #tpu.memory_space<vmem>>) semaphore(%arg10 : memref<!tpu.dma_semaphore, #tpu.memory_space<semaphore_mem>>)
    %dma_wait3A = arith.constant 0 : i32
    %dma_wait3A_12 = arith.constant 0 : i32
    %dma_wait3A_13 = tpu.memref_slice %arg2[%dma_wait3A, %dma_wait3A_12] : memref<6144x1024xf32, #tpu.memory_space<hbm>> -> memref<6144x1024xf32, #tpu.memory_space<hbm>>
    tpu.wait_indirect_dma semaphore(%arg9 : memref<!tpu.dma_semaphore, #tpu.memory_space<semaphore_mem>>) src(%dma_wait3A_13 : memref<6144x1024xf32, #tpu.memory_space<hbm>>) dst(%arg7 : memref<32x1024xf32, #tpu.memory_space<vmem>>)
    %add3A_14 = arith.constant 0 : i32
    %add3A_15 = arith.addi %mul3A_2, %add3A_14 : i32
    %dma_start3A_16 = arith.constant 0 : i32
    %dma_start3A_17 = tpu.memref_slice %arg4[%add3A_15, %dma_start3A_16] : memref<2048x1024xf32, #tpu.memory_space<hbm>> -> memref<32x1024xf32, #tpu.memory_space<hbm>>
    %dma_start3A_18 = arith.constant 0 : i32
    %dma_start3A_19 = tpu.memref_slice %arg4[%add3A_15, %dma_start3A_18] : memref<2048x1024xf32, #tpu.memory_space<hbm>> -> memref<32x1024xf32, #tpu.memory_space<hbm>>
    tpu.enqueue_dma source(%arg7 : memref<32x1024xf32, #tpu.memory_space<vmem>>) target(%dma_start3A_19 : memref<32x1024xf32, #tpu.memory_space<hbm>>) target_semaphore(%arg11 : memref<!tpu.dma_semaphore, #tpu.memory_space<semaphore_mem>>)
    %dma_wait3A_20 = arith.constant 0 : i32
    %dma_wait3A_21 = arith.constant 0 : i32
    %dma_wait3A_22 = tpu.memref_slice %arg2[%dma_wait3A_20, %dma_wait3A_21] : memref<6144x1024xf32, #tpu.memory_space<hbm>> -> memref<6144x1024xf32, #tpu.memory_space<hbm>>
    tpu.wait_indirect_dma semaphore(%arg10 : memref<!tpu.dma_semaphore, #tpu.memory_space<semaphore_mem>>) src(%dma_wait3A_22 : memref<6144x1024xf32, #tpu.memory_space<hbm>>) dst(%arg8 : memref<32x1024xf32, #tpu.memory_space<vmem>>)
    %add3A_23 = arith.constant 32 : i32
    %add3A_24 = arith.addi %mul3A_2, %add3A_23 : i32
    %dma_start3A_25 = arith.constant 0 : i32
    %dma_start3A_26 = tpu.memref_slice %arg4[%add3A_24, %dma_start3A_25] : memref<2048x1024xf32, #tpu.memory_space<hbm>> -> memref<32x1024xf32, #tpu.memory_space<hbm>>
    %dma_start3A_27 = arith.constant 0 : i32
    %dma_start3A_28 = tpu.memref_slice %arg4[%add3A_24, %dma_start3A_27] : memref<2048x1024xf32, #tpu.memory_space<hbm>> -> memref<32x1024xf32, #tpu.memory_space<hbm>>
    tpu.enqueue_dma source(%arg8 : memref<32x1024xf32, #tpu.memory_space<vmem>>) target(%dma_start3A_28 : memref<32x1024xf32, #tpu.memory_space<hbm>>) target_semaphore(%arg12 : memref<!tpu.dma_semaphore, #tpu.memory_space<semaphore_mem>>)
    %dma_wait3A_29 = arith.constant 0 : i32
    %dma_wait3A_30 = tpu.memref_slice %arg4[%add3A_15, %dma_wait3A_29] : memref<2048x1024xf32, #tpu.memory_space<hbm>> -> memref<32x1024xf32, #tpu.memory_space<hbm>>
    %dma_wait3A_31 = arith.constant 0 : i32
    %dma_wait3A_32 = tpu.memref_slice %arg4[%add3A_15, %dma_wait3A_31] : memref<2048x1024xf32, #tpu.memory_space<hbm>> -> memref<32x1024xf32, #tpu.memory_space<hbm>>
    tpu.wait_dma2 semaphore(%arg11 : memref<!tpu.dma_semaphore, #tpu.memory_space<semaphore_mem>>) src(%arg7 : memref<32x1024xf32, #tpu.memory_space<vmem>>) dst(%dma_wait3A_32 : memref<32x1024xf32, #tpu.memory_space<hbm>>)
    %dma_wait3A_33 = arith.constant 0 : i32
    %dma_wait3A_34 = tpu.memref_slice %arg4[%add3A_24, %dma_wait3A_33] : memref<2048x1024xf32, #tpu.memory_space<hbm>> -> memref<32x1024xf32, #tpu.memory_space<hbm>>
    %dma_wait3A_35 = arith.constant 0 : i32
    %dma_wait3A_36 = tpu.memref_slice %arg4[%add3A_24, %dma_wait3A_35] : memref<2048x1024xf32, #tpu.memory_space<hbm>> -> memref<32x1024xf32, #tpu.memory_space<hbm>>
    tpu.wait_dma2 semaphore(%arg12 : memref<!tpu.dma_semaphore, #tpu.memory_space<semaphore_mem>>) src(%arg8 : memref<32x1024xf32, #tpu.memory_space<vmem>>) dst(%dma_wait3A_36 : memref<32x1024xf32, #tpu.memory_space<hbm>>)
    return
  }
}

module attributes {stable_mosaic.version = 14 : i64} {
  func.func @_gemm_body(%arg0: i32, %arg1: memref<96xi32, #tpu.memory_space<smem>>, %arg2: memref<1xi32, #tpu.memory_space<smem>>, %arg3: memref<64x1024xf32, #tpu.memory_space<vmem>>, %arg4: memref<1x512x1024xf32, #tpu.memory_space<vmem>>, %arg5: memref<1x512x1024xf32, #tpu.memory_space<vmem>>, %arg6: memref<1x1024x512xf32, #tpu.memory_space<vmem>>, %arg7: memref<64x1024xf32, #tpu.memory_space<vmem>>) attributes {dimension_semantics = [#tpu.dimension_semantics<arbitrary>], iteration_bounds = array<i64: 96>, scalar_prefetch = 2 : i64, scratch_operands = 0 : i64, tpu.core_type = #tpu.core_type<tc>, window_params = [{transform_indices = @transform_0, window_bounds = array<i64: 64, 1024>}, {transform_indices = @transform_1, window_bounds = array<i64: 1, 512, 1024>}, {transform_indices = @transform_2, window_bounds = array<i64: 1, 512, 1024>}, {transform_indices = @transform_3, window_bounds = array<i64: 1, 1024, 512>}, {transform_indices = @transform_4, window_bounds = array<i64: 64, 1024>}]} {
    %get3A = arith.constant 0 : index
    %get3A_0 = memref.load %arg2[%get3A] : memref<1xi32, #tpu.memory_space<smem>>
    %lt3A = arith.cmpi slt, %arg0, %get3A_0 : i32
    %convert_element_type3A = arith.extui %lt3A : i1 to i32
    %cond3A = arith.constant 0 : i32
    %cond3A_1 = arith.cmpi ne, %convert_element_type3A, %cond3A : i32
    scf.if %cond3A_1 {
      %get3A_2 = arith.constant 0 : index
      %get3A_3 = arith.constant 0 : index
      %get3A_4 = vector.load %arg3[%get3A_2, %get3A_3] : memref<64x1024xf32, #tpu.memory_space<vmem>>, vector<64x1024xf32>
      %get3A_5 = arith.constant 0 : index
      %get3A_6 = arith.constant 0 : index
      %get3A_7 = arith.constant 0 : index
      %get3A_8 = vector.load %arg4[%get3A_5, %get3A_6, %get3A_7] : memref<1x512x1024xf32, #tpu.memory_space<vmem>>, vector<1x512x1024xf32>
      %get3A_9 = vector.shape_cast %get3A_8 : vector<1x512x1024xf32> to vector<512x1024xf32>
      %dot_general3A = arith.constant dense<0.000000e+00> : vector<64x512xf32>
      %dot_general3A_10 = tpu.matmul %get3A_4, %get3A_9, %dot_general3A {dimension_numbers = #tpu.dot_dimension_numbers<[1], [1], [0], [0], [0, 0, 1, 0], [], []>, transpose_lhs_hint = false} : vector<64x1024xf32>, vector<512x1024xf32>, vector<64x512xf32> -> vector<64x512xf32>
      %get3A_11 = arith.constant 0 : index
      %get3A_12 = arith.constant 0 : index
      %get3A_13 = arith.constant 0 : index
      %get3A_14 = vector.load %arg5[%get3A_11, %get3A_12, %get3A_13] : memref<1x512x1024xf32, #tpu.memory_space<vmem>>, vector<1x512x1024xf32>
      %get3A_15 = vector.shape_cast %get3A_14 : vector<1x512x1024xf32> to vector<512x1024xf32>
      %dot_general3A_16 = arith.constant dense<0.000000e+00> : vector<64x512xf32>
      %dot_general3A_17 = tpu.matmul %get3A_4, %get3A_15, %dot_general3A_16 {dimension_numbers = #tpu.dot_dimension_numbers<[1], [1], [0], [0], [0, 0, 1, 0], [], []>, transpose_lhs_hint = false} : vector<64x1024xf32>, vector<512x1024xf32>, vector<64x512xf32> -> vector<64x512xf32>
      %logistic3A = arith.negf %dot_general3A_10 : vector<64x512xf32>
      %logistic3A_18 = math.exp %logistic3A : vector<64x512xf32>
      %logistic3A_19 = arith.constant 1.000000e+00 : f32
      %logistic3A_20 = vector.broadcast %logistic3A_19 : f32 to vector<64x512xf32>
      %logistic3A_21 = arith.addf %logistic3A_20, %logistic3A_18 : vector<64x512xf32>
      %logistic3A_22 = arith.divf %logistic3A_20, %logistic3A_21 : vector<64x512xf32>
      %mul3A = arith.mulf %dot_general3A_10, %logistic3A_22 : vector<64x512xf32>
      %mul3A_23 = arith.mulf %mul3A, %dot_general3A_17 : vector<64x512xf32>
      %get3A_24 = arith.constant 0 : index
      %get3A_25 = arith.constant 0 : index
      %get3A_26 = arith.constant 0 : index
      %get3A_27 = vector.load %arg6[%get3A_24, %get3A_25, %get3A_26] : memref<1x1024x512xf32, #tpu.memory_space<vmem>>, vector<1x1024x512xf32>
      %get3A_28 = vector.shape_cast %get3A_27 : vector<1x1024x512xf32> to vector<1024x512xf32>
      %dot_general3A_29 = arith.constant dense<0.000000e+00> : vector<64x1024xf32>
      %dot_general3A_30 = tpu.matmul %mul3A_23, %get3A_28, %dot_general3A_29 {dimension_numbers = #tpu.dot_dimension_numbers<[1], [1], [0], [0], [0, 0, 1, 0], [], []>, transpose_lhs_hint = false} : vector<64x512xf32>, vector<1024x512xf32>, vector<64x1024xf32> -> vector<64x1024xf32>
      %swap3A = arith.constant 0 : index
      %swap3A_31 = arith.constant 0 : index
      %swap3A_32 = vector.load %arg7[%swap3A, %swap3A_31] : memref<64x1024xf32, #tpu.memory_space<vmem>>, vector<64x1024xf32>
      tpu.vector_store %arg7[%swap3A, %swap3A_31], %dot_general3A_30 {strides = array<i32>} : memref<64x1024xf32, #tpu.memory_space<vmem>>, vector<64x1024xf32>,
    } else {
    }
    return
  }
  func.func @transform_0(%arg0: i32, %arg1: memref<96xi32, #tpu.memory_space<smem>>, %arg2: memref<1xi32, #tpu.memory_space<smem>>) -> (i32, i32) {
    %get3A = arith.constant 0 : index
    %get3A_0 = memref.load %arg2[%get3A] : memref<1xi32, #tpu.memory_space<smem>>
    %sub3A = arith.constant 1 : i32
    %sub3A_1 = arith.subi %get3A_0, %sub3A : i32
    %min3A = arith.minsi %arg0, %sub3A_1 : i32
    %c0_i32 = arith.constant 0 : i32
    %c0_i32_2 = arith.constant 0 : i32
    return %min3A, %c0_i32 : i32, i32
  }
  func.func @transform_1(%arg0: i32, %arg1: memref<96xi32, #tpu.memory_space<smem>>, %arg2: memref<1xi32, #tpu.memory_space<smem>>) -> (i32, i32, i32) {
    %get3A = arith.index_cast %arg0 : i32 to index
    %get3A_0 = memref.load %arg1[%get3A] : memref<96xi32, #tpu.memory_space<smem>>
    %c0_i32 = arith.constant 0 : i32
    %c0_i32_1 = arith.constant 0 : i32
    %c0_i32_2 = arith.constant 0 : i32
    return %get3A_0, %c0_i32, %c0_i32_1 : i32, i32, i32
  }
  func.func @transform_2(%arg0: i32, %arg1: memref<96xi32, #tpu.memory_space<smem>>, %arg2: memref<1xi32, #tpu.memory_space<smem>>) -> (i32, i32, i32) {
    %get3A = arith.index_cast %arg0 : i32 to index
    %get3A_0 = memref.load %arg1[%get3A] : memref<96xi32, #tpu.memory_space<smem>>
    %c0_i32 = arith.constant 0 : i32
    %c0_i32_1 = arith.constant 0 : i32
    %c0_i32_2 = arith.constant 0 : i32
    return %get3A_0, %c0_i32, %c0_i32_1 : i32, i32, i32
  }
  func.func @transform_3(%arg0: i32, %arg1: memref<96xi32, #tpu.memory_space<smem>>, %arg2: memref<1xi32, #tpu.memory_space<smem>>) -> (i32, i32, i32) {
    %get3A = arith.index_cast %arg0 : i32 to index
    %get3A_0 = memref.load %arg1[%get3A] : memref<96xi32, #tpu.memory_space<smem>>
    %c0_i32 = arith.constant 0 : i32
    %c0_i32_1 = arith.constant 0 : i32
    %c0_i32_2 = arith.constant 0 : i32
    return %get3A_0, %c0_i32, %c0_i32_1 : i32, i32, i32
  }
  func.func @transform_4(%arg0: i32, %arg1: memref<96xi32, #tpu.memory_space<smem>>, %arg2: memref<1xi32, #tpu.memory_space<smem>>) -> (i32, i32) {
    %get3A = arith.constant 0 : index
    %get3A_0 = memref.load %arg2[%get3A] : memref<1xi32, #tpu.memory_space<smem>>
    %sub3A = arith.constant 1 : i32
    %sub3A_1 = arith.subi %get3A_0, %sub3A : i32
    %min3A = arith.minsi %arg0, %sub3A_1 : i32
    %c0_i32 = arith.constant 0 : i32
    %c0_i32_2 = arith.constant 0 : i32
    return %min3A, %c0_i32 : i32, i32
  }
}

module attributes {stable_mosaic.version = 14 : i64} {
  func.func @_route_body(%arg0: i32, %arg1: memref<256x1024xf32, #tpu.memory_space<vmem>>, %arg2: memref<64x1024xf32, #tpu.memory_space<vmem>>, %arg3: memref<256x1xi32, #tpu.memory_space<vmem>>, %arg4: memref<96x1xi32, #tpu.memory_space<vmem>>, %arg5: memref<1x1xi32, #tpu.memory_space<vmem>>, %arg6: memref<1x64xf32, #tpu.memory_space<vmem>>, %arg7: memref<1x64xf32, #tpu.memory_space<vmem>>, %arg8: memref<2048x1xi32, #tpu.memory_space<vmem>>, %arg9: memref<2048x1xi32, #tpu.memory_space<vmem>>) attributes {dimension_semantics = [#tpu.dimension_semantics<arbitrary>], iteration_bounds = array<i64: 16>, scalar_prefetch = 0 : i64, scratch_operands = 4 : i64, tpu.core_type = #tpu.core_type<tc>, window_params = [{transform_indices = @transform_0, window_bounds = array<i64: 256, 1024>}, {pipeline_mode = #tpu.pipeline_mode<synchronous>, transform_indices = @transform_1, window_bounds = array<i64: 64, 1024>}, {transform_indices = @transform_2, window_bounds = array<i64: 256, 1>}, {pipeline_mode = #tpu.pipeline_mode<synchronous>, transform_indices = @transform_3, window_bounds = array<i64: 96, 1>}, {pipeline_mode = #tpu.pipeline_mode<synchronous>, transform_indices = @transform_4, window_bounds = array<i64: 1, 1>}]} {
    %eq3A = arith.constant 0 : i32
    %eq3A_0 = arith.cmpi eq, %arg0, %eq3A : i32
    %convert_element_type3A = arith.extui %eq3A_0 : i1 to i32
    %cond3A = arith.constant 0 : i32
    %cond3A_1 = arith.cmpi ne, %convert_element_type3A, %cond3A : i32
    scf.if %cond3A_1 {
      %broadcast_in_dim3A = arith.constant 0.000000e+00 : f32
      %broadcast_in_dim3A_15 = vector.broadcast %broadcast_in_dim3A : f32 to vector<1x64xf32>
      %swap3A = arith.constant 0 : index
      %swap3A_16 = arith.constant 0 : index
      %swap3A_17 = vector.load %arg6[%swap3A, %swap3A_16] : memref<1x64xf32, #tpu.memory_space<vmem>>, vector<1x64xf32>
      tpu.vector_store %arg6[%swap3A, %swap3A_16], %broadcast_in_dim3A_15 {strides = array<i32>} : memref<1x64xf32, #tpu.memory_space<vmem>>, vector<1x64xf32>,
    } else {
    }
    %iota3A = tpu.iota {dimensions = array<i32: 1>} : vector<256x64xi32>
    %lt3A = arith.constant 8 : i32
    %lt3A_2 = arith.cmpi slt, %arg0, %lt3A : i32
    %convert_element_type3A_3 = arith.extui %lt3A_2 : i1 to i32
    %cond3A_4 = arith.constant 0 : i32
    %cond3A_5 = arith.cmpi ne, %convert_element_type3A_3, %cond3A_4 : i32
    scf.if %cond3A_5 {
      %get3A = arith.constant 0 : index
      %get3A_15 = arith.constant 0 : index
      %get3A_16 = vector.load %arg1[%get3A, %get3A_15] : memref<256x1024xf32, #tpu.memory_space<vmem>>, vector<256x1024xf32>
      %get3A_17 = arith.constant 0 : index
      %get3A_18 = arith.constant 0 : index
      %get3A_19 = vector.load %arg2[%get3A_17, %get3A_18] : memref<64x1024xf32, #tpu.memory_space<vmem>>, vector<64x1024xf32>
      %dot_general3A = arith.constant dense<0.000000e+00> : vector<256x64xf32>
      %dot_general3A_20 = tpu.matmul %get3A_16, %get3A_19, %dot_general3A {dimension_numbers = #tpu.dot_dimension_numbers<[1], [1], [0], [0], [0, 0, 1, 0], [], []>, transpose_lhs_hint = false} : vector<256x1024xf32>, vector<64x1024xf32>, vector<256x64xf32> -> vector<256x64xf32>
      %reduce_max3A = arith.constant dense<0xFF800000> : vector<256xf32>
      %reduce_max3A_21 = vector.multi_reduction <maximumf>, %dot_general3A_20, %reduce_max3A [1] : vector<256x64xf32> to vector<256xf32>
      %broadcast_in_dim3A = vector.shape_cast %reduce_max3A_21 : vector<256xf32> to vector<256x1xf32>
      %ge3A_22 = vector.broadcast %broadcast_in_dim3A : vector<256x1xf32> to vector<256x64xf32>
      %ge3A_23 = arith.cmpf oge, %dot_general3A_20, %ge3A_22 : vector<256x64xf32>
      %jit3A = arith.constant 64 : i32
      %broadcast_in_dim3A_24 = vector.broadcast %jit3A : i32 to vector<256x64xi32>
      %select_n3A = arith.select %ge3A_23, %iota3A, %broadcast_in_dim3A_24 : vector<256x64xi1>, vector<256x64xi32>
      %reduce_min3A = arith.constant dense<2147483647> : vector<256xi32>
      %reduce_min3A_25 = vector.multi_reduction <minsi>, %select_n3A, %reduce_min3A [1] : vector<256x64xi32> to vector<256xi32>
      %broadcast_in_dim3A_26 = vector.shape_cast %reduce_min3A_25 : vector<256xi32> to vector<256x1xi32>
      %eq3A_27 = vector.broadcast %broadcast_in_dim3A_26 : vector<256x1xi32> to vector<256x64xi32>
      %eq3A_28 = arith.cmpi eq, %iota3A, %eq3A_27 : vector<256x64xi32>
      %convert_element_type3A_29 = arith.extui %eq3A_28 : vector<256x64xi1> to vector<256x64xi32>
      %convert_element_type3A_30 = arith.sitofp %convert_element_type3A_29 : vector<256x64xi32> to vector<256x64xf32>
      %iota3A_31 = tpu.iota {dimensions = array<i32: 0>} : vector<256x256xi32>
      %iota3A_32 = tpu.iota {dimensions = array<i32: 1>} : vector<256x256xi32>
      %lt3A_33 = arith.cmpi slt, %iota3A_32, %iota3A_31 : vector<256x256xi32>
      %convert_element_type3A_34 = arith.extui %lt3A_33 : vector<256x256xi1> to vector<256x256xi32>
      %convert_element_type3A_35 = arith.sitofp %convert_element_type3A_34 : vector<256x256xi32> to vector<256x256xf32>
      %dot_general3A_36 = arith.constant dense<0.000000e+00> : vector<256x64xf32>
      %dot_general3A_37 = tpu.matmul %convert_element_type3A_35, %convert_element_type3A_30, %dot_general3A_36 {dimension_numbers = #tpu.dot_dimension_numbers<[1], [0], [0], [1], [0, 0, 1, 1], [], []>, transpose_lhs_hint = false} : vector<256x256xf32>, vector<256x64xf32>, vector<256x64xf32> -> vector<256x64xf32>
      %get3A_38 = arith.constant 0 : index
      %get3A_39 = arith.constant 0 : index
      %get3A_40 = vector.load %arg6[%get3A_38, %get3A_39] : memref<1x64xf32, #tpu.memory_space<vmem>>, vector<1x64xf32>
      %add3A = vector.broadcast %get3A_40 : vector<1x64xf32> to vector<256x64xf32>
      %add3A_41 = arith.addf %dot_general3A_37, %add3A : vector<256x64xf32>
      %mul3A = arith.mulf %add3A_41, %convert_element_type3A_30 : vector<256x64xf32>
      %reduce_sum3A = arith.constant dense<0.000000e+00> : vector<256xf32>
      %reduce_sum3A_42 = vector.multi_reduction <add>, %mul3A, %reduce_sum3A [1] : vector<256x64xf32> to vector<256xf32>
      %broadcast_in_dim3A_43 = vector.shape_cast %reduce_sum3A_42 : vector<256xf32> to vector<256x1xf32>
      %get3A_44 = arith.constant 0 : index
      %get3A_45 = arith.constant 0 : index
      %get3A_46 = vector.load %arg6[%get3A_44, %get3A_45] : memref<1x64xf32, #tpu.memory_space<vmem>>, vector<1x64xf32>
      %reduce_sum3A_47 = arith.constant dense<0.000000e+00> : vector<64xf32>
      %reduce_sum3A_48 = vector.multi_reduction <add>, %convert_element_type3A_30, %reduce_sum3A_47 [0] : vector<256x64xf32> to vector<64xf32>
      %broadcast_in_dim3A_49 = vector.shape_cast %reduce_sum3A_48 : vector<64xf32> to vector<1x64xf32>
      %add3A_50 = arith.addf %get3A_46, %broadcast_in_dim3A_49 : vector<1x64xf32>
      %swap3A = arith.constant 0 : index
      %swap3A_51 = arith.constant 0 : index
      %swap3A_52 = vector.load %arg6[%swap3A, %swap3A_51] : memref<1x64xf32, #tpu.memory_space<vmem>>, vector<1x64xf32>
      tpu.vector_store %arg6[%swap3A, %swap3A_51], %add3A_50 {strides = array<i32>} : memref<1x64xf32, #tpu.memory_space<vmem>>, vector<1x64xf32>,
      %mul3A_53 = arith.constant 256 : i32
      %mul3A_54 = arith.muli %arg0, %mul3A_53 : i32
      %swap3A_55 = arith.index_cast %mul3A_54 : i32 to index
      %swap3A_56 = arith.constant 0 : index
      %swap3A_57 = vector.load %arg8[%swap3A_55, %swap3A_56] : memref<2048x1xi32, #tpu.memory_space<vmem>>, vector<256x1xi32>
      tpu.vector_store %arg8[%swap3A_55, %swap3A_56], %broadcast_in_dim3A_26 {strides = array<i32>} : memref<2048x1xi32, #tpu.memory_space<vmem>>, vector<256x1xi32>,
      %convert_element_type3A_58 = arith.fptosi %broadcast_in_dim3A_43 : vector<256x1xf32> to vector<256x1xi32>
      %mul3A_59 = arith.constant 256 : i32
      %mul3A_60 = arith.muli %arg0, %mul3A_59 : i32
      %swap3A_61 = arith.index_cast %mul3A_60 : i32 to index
      %swap3A_62 = arith.constant 0 : index
      %swap3A_63 = vector.load %arg9[%swap3A_61, %swap3A_62] : memref<2048x1xi32, #tpu.memory_space<vmem>>, vector<256x1xi32>
      tpu.vector_store %arg9[%swap3A_61, %swap3A_62], %convert_element_type3A_58 {strides = array<i32>} : memref<2048x1xi32, #tpu.memory_space<vmem>>, vector<256x1xi32>,
    } else {
    }
    %eq3A_6 = arith.constant 8 : i32
    %eq3A_7 = arith.cmpi eq, %arg0, %eq3A_6 : i32
    %convert_element_type3A_8 = arith.extui %eq3A_7 : i1 to i32
    %cond3A_9 = arith.constant 0 : i32
    %cond3A_10 = arith.cmpi ne, %convert_element_type3A_8, %cond3A_9 : i32
    scf.if %cond3A_10 {
      %get3A = arith.constant 0 : index
      %get3A_15 = arith.constant 0 : index
      %get3A_16 = vector.load %arg6[%get3A, %get3A_15] : memref<1x64xf32, #tpu.memory_space<vmem>>, vector<1x64xf32>
      %add3A = arith.constant 6.300000e+01 : f32
      %add3A_17 = vector.broadcast %add3A : f32 to vector<1x64xf32>
      %add3A_18 = arith.addf %get3A_16, %add3A_17 : vector<1x64xf32>
      %mul3A = arith.constant 1.562500e-02 : f32
      %mul3A_19 = vector.broadcast %mul3A : f32 to vector<1x64xf32>
      %mul3A_20 = arith.mulf %add3A_18, %mul3A_19 : vector<1x64xf32>
      %floor3A = math.floor %mul3A_20 : vector<1x64xf32>
      %iota3A_21 = tpu.iota {dimensions = array<i32: 0>} : vector<64x64xi32>
      %iota3A_22 = tpu.iota {dimensions = array<i32: 1>} : vector<64x64xi32>
      %le3A = arith.cmpi sle, %iota3A_21, %iota3A_22 : vector<64x64xi32>
      %convert_element_type3A_23 = arith.extui %le3A : vector<64x64xi1> to vector<64x64xi32>
      %convert_element_type3A_24 = arith.sitofp %convert_element_type3A_23 : vector<64x64xi32> to vector<64x64xf32>
      %dot_general3A = arith.constant dense<0.000000e+00> : vector<1x64xf32>
      %dot_general3A_25 = tpu.matmul %floor3A, %convert_element_type3A_24, %dot_general3A {dimension_numbers = #tpu.dot_dimension_numbers<[1], [0], [0], [1], [0, 0, 1, 1], [], []>, transpose_lhs_hint = false} : vector<1x64xf32>, vector<64x64xf32>, vector<1x64xf32> -> vector<1x64xf32>
      %sub3A = arith.subf %dot_general3A_25, %floor3A : vector<1x64xf32>
      %mul3A_26 = arith.constant 6.400000e+01 : f32
      %mul3A_27 = vector.broadcast %mul3A_26 : f32 to vector<1x64xf32>
      %mul3A_28 = arith.mulf %sub3A, %mul3A_27 : vector<1x64xf32>
      %swap3A = arith.constant 0 : index
      %swap3A_29 = arith.constant 0 : index
      %swap3A_30 = vector.load %arg7[%swap3A, %swap3A_29] : memref<1x64xf32, #tpu.memory_space<vmem>>, vector<1x64xf32>
      tpu.vector_store %arg7[%swap3A, %swap3A_29], %mul3A_28 {strides = array<i32>} : memref<1x64xf32, #tpu.memory_space<vmem>>, vector<1x64xf32>,
      %slice3A = vector.extract_strided_slice %dot_general3A_25 {offsets = [0, 63], sizes = [1, 1], strides = [1, 1]} : vector<1x64xf32> to vector<1x1xf32>
      %squeeze3A = vector.extract %slice3A[0, 0] : f32 from vector<1x1xf32>
      %convert_element_type3A_31 = arith.fptosi %squeeze3A : f32 to i32
      %broadcast_in_dim3A = vector.broadcast %convert_element_type3A_31 : i32 to vector<1x1xi32>
      %swap3A_32 = arith.constant 0 : index
      %swap3A_33 = arith.constant 0 : index
      %swap3A_34 = vector.load %arg5[%swap3A_32, %swap3A_33] : memref<1x1xi32, #tpu.memory_space<vmem>>, vector<1x1xi32>
      tpu.vector_store %arg5[%swap3A_32, %swap3A_33], %broadcast_in_dim3A {strides = array<i32>} : memref<1x1xi32, #tpu.memory_space<vmem>>, vector<1x1xi32>,
      %iota3A_35 = tpu.iota {dimensions = array<i32: 0>} : vector<96x64xi32>
      %sub3A_36 = arith.constant 1 : i32
      %sub3A_37 = arith.subi %convert_element_type3A_31, %sub3A_36 : i32
      %min3A = vector.broadcast %sub3A_37 : i32 to vector<96x64xi32>
      %min3A_38 = arith.minsi %iota3A_35, %min3A : vector<96x64xi32>
      %convert_element_type3A_39 = arith.sitofp %min3A_38 : vector<96x64xi32> to vector<96x64xf32>
      %broadcast_in_dim3A_40 = vector.shape_cast %dot_general3A_25 : vector<1x64xf32> to vector<1x64xf32>
      %broadcast_in_dim3A_41 = vector.broadcast %broadcast_in_dim3A_40 : vector<1x64xf32> to vector<96x64xf32>
      %le3A_42 = arith.cmpf ole, %broadcast_in_dim3A_41, %convert_element_type3A_39 : vector<96x64xf32>
      %jit3A = arith.constant 1 : i32
      %jit3A_43 = arith.constant 0 : i32
      %broadcast_in_dim3A_44 = vector.broadcast %jit3A : i32 to vector<96x64xi32>
      %broadcast_in_dim3A_45 = vector.broadcast %jit3A_43 : i32 to vector<96x64xi32>
      %select_n3A = arith.select %le3A_42, %broadcast_in_dim3A_44, %broadcast_in_dim3A_45 : vector<96x64xi1>, vector<96x64xi32>
      %reduce_sum3A = arith.constant dense<0> : vector<96xi32>
      %reduce_sum3A_46 = vector.multi_reduction <add>, %select_n3A, %reduce_sum3A [1] : vector<96x64xi32> to vector<96xi32>
      %broadcast_in_dim3A_47 = vector.shape_cast %reduce_sum3A_46 : vector<96xi32> to vector<96x1xi32>
      %swap3A_48 = arith.constant 0 : index
      %swap3A_49 = arith.constant 0 : index
      %swap3A_50 = vector.load %arg4[%swap3A_48, %swap3A_49] : memref<96x1xi32, #tpu.memory_space<vmem>>, vector<96x1xi32>
      tpu.vector_store %arg4[%swap3A_48, %swap3A_49], %broadcast_in_dim3A_47 {strides = array<i32>} : memref<96x1xi32, #tpu.memory_space<vmem>>, vector<96x1xi32>,
    } else {
    }
    %ge3A = arith.constant 8 : i32
    %ge3A_11 = arith.cmpi sge, %arg0, %ge3A : i32
    %convert_element_type3A_12 = arith.extui %ge3A_11 : i1 to i32
    %cond3A_13 = arith.constant 0 : i32
    %cond3A_14 = arith.cmpi ne, %convert_element_type3A_12, %cond3A_13 : i32
    scf.if %cond3A_14 {
      %sub3A = arith.constant 8 : i32
      %sub3A_15 = arith.subi %arg0, %sub3A : i32
      %mul3A = arith.constant 256 : i32
      %mul3A_16 = arith.muli %sub3A_15, %mul3A : i32
      %get3A = arith.index_cast %mul3A_16 : i32 to index
      %get3A_17 = arith.constant 0 : index
      %get3A_18 = vector.load %arg8[%get3A, %get3A_17] : memref<2048x1xi32, #tpu.memory_space<vmem>>, vector<256x1xi32>
      %eq3A_19 = vector.broadcast %get3A_18 : vector<256x1xi32> to vector<256x64xi32>
      %eq3A_20 = arith.cmpi eq, %iota3A, %eq3A_19 : vector<256x64xi32>
      %convert_element_type3A_21 = arith.extui %eq3A_20 : vector<256x64xi1> to vector<256x64xi32>
      %convert_element_type3A_22 = arith.sitofp %convert_element_type3A_21 : vector<256x64xi32> to vector<256x64xf32>
      %get3A_23 = arith.constant 0 : index
      %get3A_24 = arith.constant 0 : index
      %get3A_25 = vector.load %arg7[%get3A_23, %get3A_24] : memref<1x64xf32, #tpu.memory_space<vmem>>, vector<1x64xf32>
      %dot_general3A = arith.constant dense<0.000000e+00> : vector<256x1xf32>
      %dot_general3A_26 = tpu.matmul %convert_element_type3A_22, %get3A_25, %dot_general3A {dimension_numbers = #tpu.dot_dimension_numbers<[1], [1], [0], [0], [0, 0, 1, 0], [], []>, transpose_lhs_hint = false} : vector<256x64xf32>, vector<1x64xf32>, vector<256x1xf32> -> vector<256x1xf32>
      %convert_element_type3A_27 = arith.fptosi %dot_general3A_26 : vector<256x1xf32> to vector<256x1xi32>
      %get3A_28 = arith.index_cast %mul3A_16 : i32 to index
      %get3A_29 = arith.constant 0 : index
      %get3A_30 = vector.load %arg9[%get3A_28, %get3A_29] : memref<2048x1xi32, #tpu.memory_space<vmem>>, vector<256x1xi32>
      %add3A = arith.addi %convert_element_type3A_27, %get3A_30 : vector<256x1xi32>
      %swap3A = arith.constant 0 : index
      %swap3A_31 = arith.constant 0 : index
      %swap3A_32 = vector.load %arg3[%swap3A, %swap3A_31] : memref<256x1xi32, #tpu.memory_space<vmem>>, vector<256x1xi32>
      tpu.vector_store %arg3[%swap3A, %swap3A_31], %add3A {strides = array<i32>} : memref<256x1xi32, #tpu.memory_space<vmem>>, vector<256x1xi32>,
    } else {
    }
    return
  }
  func.func @transform_0(%arg0: i32) -> (i32, i32) {
    %min3A = arith.constant 7 : i32
    %min3A_0 = arith.minsi %arg0, %min3A : i32
    %c0_i32 = arith.constant 0 : i32
    %c0_i32_1 = arith.constant 0 : i32
    return %min3A_0, %c0_i32 : i32, i32
  }
  func.func @transform_1(%arg0: i32) -> (i32, i32) {
    %c0_i32 = arith.constant 0 : i32
    %c0_i32_0 = arith.constant 0 : i32
    %c0_i32_1 = arith.constant 0 : i32
    return %c0_i32, %c0_i32_0 : i32, i32
  }
  func.func @transform_2(%arg0: i32) -> (i32, i32) {
    %sub3A = arith.constant 8 : i32
    %sub3A_0 = arith.subi %arg0, %sub3A : i32
    %max3A = arith.constant 0 : i32
    %max3A_1 = arith.maxsi %sub3A_0, %max3A : i32
    %c0_i32 = arith.constant 0 : i32
    %c0_i32_2 = arith.constant 0 : i32
    return %max3A_1, %c0_i32 : i32, i32
  }
  func.func @transform_3(%arg0: i32) -> (i32, i32) {
    %c0_i32 = arith.constant 0 : i32
    %c0_i32_0 = arith.constant 0 : i32
    %c0_i32_1 = arith.constant 0 : i32
    return %c0_i32, %c0_i32_0 : i32, i32
  }
  func.func @transform_4(%arg0: i32) -> (i32, i32) {
    %c0_i32 = arith.constant 0 : i32
    %c0_i32_0 = arith.constant 0 : i32
    %c0_i32_1 = arith.constant 0 : i32
    return %c0_i32, %c0_i32_0 : i32, i32
  }
}

</mosaic_0001>

<sc_bundles>
// kernel: kernel.6.cloned.1.call-start
scs
__scs_entry_jumppad:
0x0: {  	(pc) =	sbr.rel $0x88, $3  }
0x1: {  	(tag) =	ssettag $0x0;
	lr =	simm.s32 $0x1  }
0x2: {  	[smem:$0x3F9C] =	sst lr;
	_ =	strace $0xD0000000  }
0x3: {  	_ = 	snop  }
0x4: {  	_ = 	snop  }
0x5: {  	_ = 	snop  }
0x6: {  	_ = 	snop  }
0x7: {  	_ = 	snop  }
__scs_overlays_trampoline_lowered:
0x8: {  	[smem:$0x3FAB] =	sst s0  }
0x9: {  	[smem:$0x3FAC] =	sst s1  }
0xa: {  	[smem:$0x3FAD] =	sst s2  }
0xb: {  	[smem:$0x3FAE] =	sst s3  }
0xc: {  	[smem:$0x3FAF] =	sst s4  }
0xd: {  	[smem:$0x3FB0] =	sst s5  }
0xe: {  	[smem:$0x3FB1] =	sst s6  }
0xf: {  	[smem:$0x3FB2] =	sst s7  }
0x10: {  	[smem:$0x3FB3] =	sst s8  }
0x11: {  	[smem:$0x3FB4] =	sst s9;
	s0 =	simm.s32 @!p0 $0x0  }
0x12: {  	s1 =	sld [smem:$0x3F9A];
	s0 =	simm.s32 @p0 $0x1  }
0x13: {  	[smem:$0x3FB5] =	sst s0;
	s0 =	simm.s32 @!p1 $0x0  }
0x14: {  	s2 =	sld [smem:$0x3F99];
	s0 =	simm.s32 @p1 $0x1  }
0x15: {  	[smem:$0x3FB6] =	sst s0;
	s0 =	simm.s32 @!p2 $0x0  }
0x16: {  	s3 =	sld [smem:$0x3FDB];
	s0 =	simm.s32 @p2 $0x1  }
0x17: {  	s4 =	simm.s32 $0x1BF5;
	[smem:$0x3FB8] =	sst s0  }
0x18: {  	s0 =	sld [smem:$0x3F9B];
	_ =	swait.ge [sflag:s4], $0x0  }
0x19: {  	s7 =	sld [smem:$0x3F9C]  }
0x1a: {  	s8 =	sadd.s32 $0xFFFFE003, lr  }
0x1b: {  	s9 =	sadd.s32 $0xFFFFFEF7, lr;
	s5 =	simm.s32 $0xFFFFFFFF;
	p2 =	slt.u32 s8, $0xFFFFF086  }
0x1c: {  	p1 =	slt.u32 s9, $0xF7A;
	s5 =	simm.s32 @!p2 $0x0  }
0x1d: {  	s5 =	simm.s32 @p1 $0x1;
	p0 =	seq.s32 s7, s2  }
0x1e: {  	s7 =	smul.u32 @!p0 $0xF7A, s2;
	p2 =	seq.s32 @!p0 s5, $0x0  }
0x1f: {  	s9 =	smul.u32 $0xF7A, s1;
	s8 =	simm.s32 @!p0 $0x1BF5;
	p2 =	por !p2, p0  }
0x20: {  	[sflag:s8] =	ssyncset.s32 @!p0 $0xFFFFF086;
	s6 =	sadd.s32 @!p0 s3, s7;
	s7 =	simm.s32 @!p0 $0x108  }
0x21: {  	s3 =	sadd.s32 s3, s9;
	s6 =	sadd.s32 @!p0 $0x88, s6;
	s7 =	simm.s32 @p2 $0x1082  }
0x22: {  	[simem:s7], [sflag:s8] =	dma.local @!p0 [hbm:s6], $0xF7A  }
0x23: {  	s9 =	sor.u32 $0xD0000000, s2;
	s6 =	simm.s32 $0x108;
	_ =	swait.ge @!p0 [sflag:s8], $0x0  }
0x24: {  	s3 =	sadd.s32 $0x88, s3;
	s6 =	simm.s32 @!p1 $0x1082;
	[sflag:s4] =	ssyncset.s32 $0xFFFFF086  }
0x25: {  	[simem:s6], [sflag:s4] =	dma.local [hbm:s3], $0xF7A  }
0x26: {  	[smem:$0x3F9C] =	sst s1;
	(tag) =	ssettag s2;
	_ =	strace s9  }
0x27: {  	s1 =	sld [smem:$0x3FAC]  }
0x28: {  	s2 =	sld [smem:$0x3FAD]  }
0x29: {  	s4 =	sld [smem:$0x3FAF]  }
0x2a: {  	p0 =	seq.s32 s5, $0x0;
	s5 =	sld [smem:$0x3FB0]  }
0x2b: {  	s6 =	sld [smem:$0x3FB1]  }
0x2c: {  	s7 =	sld [smem:$0x3FB2]  }
0x2d: {  	s3 =	simm.s32 $0x108;
	s8 =	sld [smem:$0x3FB3]  }
0x2e: {  	s3 =	simm.s32 @!p0 $0x1082;
	s9 =	sld [smem:$0x3FB4]  }
0x2f: {  	lr =	sadd.s32 s0, s3;
	s0 =	sld [smem:$0x3FAB]  }
0x30: {  	s3 =	sld [smem:$0x3FAE]  }
0x31: {  	[smem:$0x3FB7] =	sst s10  }
0x32: {  	s10 =	sld [smem:$0x3FB5];
	_ =	sdelay $0x3  }
0x33: {  	p0 =	seq.s32 s10, $0x1;
	s10 =	sld [smem:$0x3FB7];
	_ =	sdelay $0x3  }
0x34: {  	[smem:$0x3FB7] =	sst s10  }
0x35: {  	s10 =	sld [smem:$0x3FB6];
	_ =	sdelay $0x3  }
0x36: {  	p1 =	seq.s32 s10, $0x1;
	s10 =	sld [smem:$0x3FB7];
	_ =	sdelay $0x3  }
0x37: {  	[smem:$0x3FB7] =	sst s10  }
0x38: {  	s10 =	sld [smem:$0x3FB8]  }
0x39: {  	_ = 	snop;
	(pc) =	sbr.ind lr, $3  }
0x3a: {  	_ = 	snop  }
0x3b: {  	_ = 	snop  }
0x3c: {  	p2 =	seq.s32 s10, $0x1;
	s10 =	sld [smem:$0x3FB7]  }
0x3d: {  	_ =	shalt  }
0x3e: {  	_ =	shalt  }
0x3f: {  	_ =	shalt  }
0x40: {  	_ =	shalt  }
0x41: {  	_ =	shalt  }
0x42: {  	_ =	shalt  }
0x43: {  	_ =	shalt  }
0x44: {  	_ =	shalt  }
0x45: {  	_ =	shalt  }
0x46: {  	_ =	shalt  }
0x47: {  	_ =	shalt  }
0x48: {  	_ =	shalt  }
0x49: {  	_ =	shalt  }
0x4a: {  	_ =	shalt  }
0x4b: {  	_ =	shalt  }
0x4c: {  	_ =	shalt  }
0x4d: {  	_ =	shalt  }
0x4e: {  	_ =	shalt  }
0x4f: {  	_ =	shalt  }
0x50: {  	_ =	shalt  }
0x51: {  	_ =	shalt  }
0x52: {  	_ =	shalt  }
0x53: {  	_ =	shalt  }
0x54: {  	_ =	shalt  }
0x55: {  	_ =	shalt  }
0x56: {  	_ =	shalt  }
0x57: {  	_ =	shalt  }
0x58: {  	_ =	shalt  }
0x59: {  	_ =	shalt  }
0x5a: {  	_ =	shalt  }
0x5b: {  	_ =	shalt  }
0x5c: {  	_ =	shalt  }
0x5d: {  	_ =	shalt  }
0x5e: {  	_ =	shalt  }
0x5f: {  	_ =	shalt  }
0x60: {  	_ =	shalt  }
0x61: {  	_ =	shalt  }
0x62: {  	_ =	shalt  }
0x63: {  	_ =	shalt  }
0x64: {  	_ =	shalt  }
0x65: {  	_ =	shalt  }
0x66: {  	_ =	shalt  }
0x67: {  	_ =	shalt  }
0x68: {  	_ =	shalt  }
0x69: {  	_ =	shalt  }
0x6a: {  	_ =	shalt  }
0x6b: {  	_ =	shalt  }
0x6c: {  	_ =	shalt  }
0x6d: {  	_ =	shalt  }
0x6e: {  	_ =	shalt  }
0x6f: {  	_ =	shalt  }
0x70: {  	_ =	shalt  }
0x71: {  	_ =	shalt  }
0x72: {  	_ =	shalt  }
0x73: {  	_ =	shalt  }
0x74: {  	_ =	shalt  }
0x75: {  	_ =	shalt  }
0x76: {  	_ =	shalt  }
0x77: {  	_ =	shalt  }
0x78: {  	_ =	shalt  }
0x79: {  	_ =	shalt  }
0x7a: {  	_ =	shalt  }
0x7b: {  	_ =	shalt  }
0x7c: {  	_ =	shalt  }
0x7d: {  	_ =	shalt  }
0x7e: {  	_ =	shalt  }
0x7f: {  	_ =	shalt  }
0x80: {  	_ =	shalt  }
0x81: {  	_ =	shalt  }
0x82: {  	_ =	shalt  }
0x83: {  	_ =	shalt  }
0x84: {  	_ =	shalt  }
0x85: {  	_ =	shalt  }
0x86: {  	_ =	shalt  }
0x87: {  	_ =	shalt  }
.Lfunc_end0:
.L_simem_size_0:
called_computation_lowered:
.L_overlay_start_0:
0x88: {  	s2 =	sld [smem:$0x3FD9]  }
0x89: {  	s3 =	sld [smem:$0x3FFE];
	_ =	sdelay $0x1  }
0x8a: {  	s1 =	srdreg.scid  }
0x8b: {  	s0 =	sand.u32 $0x1, s1  }
0x8c: {  	s17 =	sshll.u32 s0, $0xA;
	s2 =	sadd.s32 s3, s2  }
0x8d: {  	s2 =	sadd.s32 s2, s17  }
0x8e: {  	[smem:$0x3FC3] =	sst s2  }
0x8f: {  	_ = 	snop  }
0x90: {  	s2 =	sld [smem:$0x3FC9];
	(tm) =	ssettm $0x1  }
0x91: {  	s18 =	sld [smem:$0x3FFB];
	_ =	sdelay $0x3  }
0x92: {  	_ =	strace s18  }
0x93: {  	s3 =	sld [smem:$0x3FFC];
	_ =	sdelay $0x3  }
0x94: {  	_ =	strace s3  }
0x95: {  	s3 =	sld [smem:$0x3FFD];
	_ =	sdelay $0x3  }
0x96: {  	_ =	strace s3  }
0x97: {  	_ =	strace $0x8FFFFFFF  }
0x98: {  	s19 =	sld [smem:$0x3FDB];
	_ =	sdelay $0x1  }
0x99: {  	s4 =	simm.s32 $_scs_section_size  }
0x9a: {  	s5 =	simm.s32 $_size__tile_overlayer_lowered;
	s6 =	simm.s32 $_tile_overlayer_lowered  }
0x9b: {  	s22 =	simm.s32 $0x1BFF;
	s21 =	sshll.u32 s6, $0x1;
	s3 =	sadd.s32 s4, s19  }
0x9c: {  	s7 =	simm.s32 $0x0;
	s20 =	sshll.u32 s5, $0x1;
	s5 =	sadd.s32 s21, s3  }
0x9d: {  	[timem:s7], [sflag:s22] =	dma.local [hbm:s5], s20  }
0x9e: {  	_ =	swait.ge [sflag:s22], s20  }
0x9f: {  	s4 =	ssub.s32 $0x0, s20;
	[sflag:s22] =	ssyncset.done $0x0  }
0xa0: {  	[sflag:s22] =	ssyncadd.s32 s4;
	_ =	sdelay $0x1  }
0xa1: {  	s23 =	simm.s32 $0x1B8B  }
0xa2: {  	_ =	swait.ge [sflag:s23], $0x1  }
0xa3: {  	[sflag:s23] =	ssyncset.done $0x0  }
0xa4: {  	s25 =	simm.s32 $0x1B8E;
	s24 =	sld [smem:$0x3FFE];
	[sflag:s23] =	ssyncadd.s32 $0xFFFFFFFF  }
0xa5: {  	s26 =	simm.s32 $execute0_lowered;
	[smem:$0x3FD2] =	sst s25  }
0xa6: {  	s5 =	sshll.u32 s26, $0x1;
	_ =	strace $0x80000046;
	[dreg:$0x1] =	wrdreg $0xFFFFFFFF  }
0xa7: {  	s28 =	simm.s32 $_size_execute0_lowered;
	s3 =	sadd.s32 s3, s5;
	[dreg:$0x0] =	wrdreg $0x0  }
0xa8: {  	s5 =	sshll.u32 s28, $0x1;
	[dreg:$0x2] =	wrdreg s3  }
0xa9: {  	[dreg:$0x3] =	wrdreg s5  }
0xaa: {  	[dreg:$0x4] =	wrdreg $0xC0  }
0xab: {  	_ =	task [dreg:s7], $0x5FFFF  }
0xac: {  	[dreg:$0x1] =	wrdreg $0xFFFFFFFF  }
0xad: {  	[dreg:$0x0] =	wrdreg $0x60  }
0xae: {  	[dreg:$0x2] =	wrdreg s2  }
0xaf: {  	[dreg:$0x3] =	wrdreg s24  }
0xb0: {  	[dreg:$0x4] =	wrdreg $0x9  }
0xb1: {  	_ =	task.clear_ibuf [dreg:s7], $0x5FFFF;
	_ =	strace $0x90000046  }
0xb2: {  	s29 =	simm.s32 $0x9;
	_ =	strace $0x80000048  }
0xb3: {  	_ =	swait.ge [sflag:s29], $0x1  }
0xb4: {  	[sflag:s29] =	ssyncadd.s32 $0xFFFFFFFF  }
0xb5: {  	_ =	strace $0x90000048  }
0xb6: {  	_ =	sfence  }
0xb7: {  	s30 =	sld [smem:$0x0];
	_ =	sdelay $0x2  }
0xb8: {  	s31 =	sshll.u32 s1, $0xD;
	s1 =	sshrl.u32 s1, $0x2  }
0xb9: {  	s3 =	sand.u32 $0x4000, s31;
	s1 =	sadd.s32 s1, s30  }
0xba: {  	s0 =	sor.u32 s3, s0;
	s1 =	sshll.u32 s1, $0x11  }
0xbb: {  	s0 =	sor.u32 s1, s0  }
0xbc: {  	s0 =	sadd.s32 $0x8F2B, s0  }
0xbd: {  	[sflag:s0] =	ssyncadd.remote.s32 $0x1  }
0xbe: {  	_ =	sfence.sel $0xFFFF  }
0xbf: {  	[dreg:$0x0] =	wrdreg $0xFFFFFFFF;
	(pc) =	sbr.abs _section_cstart, $3  }
0xc0: {  	[dreg:$0x1] =	wrdreg $0xFFFFFFFF  }
0xc1: {  	_ =	task.clear_ibuf [dreg:s7], $0x2FFFF;
	_ =	strace $0x9FFFFFFF  }
0xc2: {  	(tm) =	ssettm $0x7FFFFFFF  }
0xc3: {  	_ =	shalt  }
tec
execute0_lowered:
.L_overlay_start_1:
0x0: {  	(tag) =	ssettag $0x1  }
0x1: {  	s0 =	rddreg [dreg:$0x0];
	s2 =	srdreg.scid  }
0x2: {  	s6 =	rddreg [dreg:$0x1];
	s4 =	sand.u32 $0x1, s2;
	s2 =	simm.s32 $0x0  }
0x3: {  	s11 =	simm.s32 $0x80;
	[smem:$0x7FF] =	sst s2  }
0x4: {  	s12 =	simm.s32 $0x900;
	_ =	strace $0x80000047;
	[dreg:$0x7] =	wrdreg s11  }
0x5: {  	s13 =	simm.s32 $0x1100;
	[dreg:$0x8] =	wrdreg s12  }
0x6: {  	s1 =	stileid.u32;
	s14 =	simm.s32 $0x1900;
	[dreg:$0x9] =	wrdreg s13  }
0x7: {  	s16 =	simm.s32 $0x2100;
	s18 =	simm.s32 $0x2900;
	[dreg:$0xa] =	wrdreg s14  }
0x8: {  	s19 =	simm.s32 $0x3100;
	s20 =	simm.s32 $0x3900;
	[dreg:$0xb] =	wrdreg s16  }
0x9: {  	s21 =	simm.s32 $0x4100;
	s22 =	simm.s32 $0x4900;
	[dreg:$0xc] =	wrdreg s18  }
0xa: {  	s23 =	simm.s32 $0x5100;
	s24 =	simm.s32 $0x5900;
	[dreg:$0xd] =	wrdreg s19  }
0xb: {  	s25 =	simm.s32 $0x6100;
	s26 =	simm.s32 $0x6900;
	[dreg:$0xe] =	wrdreg s20  }
0xc: {  	s28 =	simm.s32 $0xE900;
	s29 =	simm.s32 $0xF100;
	[dreg:$0xf] =	wrdreg s21  }
0xd: {  	s30 =	simm.s32 $0xF900;
	s31 =	simm.s32 $0x3;
	[dreg:$0x10] =	wrdreg s22  }
0xe: {  	s3 =	sshll.u32 s1, $0x7;
	s1 =	sadd.s32 $0x400, s6;
	[dreg:$0x11] =	wrdreg s23  }
0xf: {  	s5 =	sshll.u32 s4, $0x6;
	s4 =	ssub.s32 $0x2, s4;
	[dreg:$0x12] =	wrdreg s24  }
0x10: {  	s3 =	sor.u32 s5, s3;
	s15 =	sshrl.u32 s4, $0x1;
	[dreg:$0x13] =	wrdreg s25  }
0x11: {  	s11 =	simm.s32 $0x1;
	[dreg:$0x14] =	wrdreg s26;
	s13 =	simm.s32 $0x7900  }
0x12: {  	s14 =	simm.s32 $0x2;
	s16 =	simm.s32 $0x9100;
	s18 =	simm.s32 $0xA100  }
0x13: {  	s19 =	simm.s32 $0xA900;
	s20 =	simm.s32 $0xB100;
	s21 =	simm.s32 $0xB900  }
0x14: {  	s22 =	simm.s32 $0xC100;
	s23 =	simm.s32 $0xC900;
	s24 =	simm.s32 $0xD100  }
0x15: {  	s25 =	simm.s32 $0xD900;
	s26 =	simm.s32 $0xE100;
	s7 =	sshrl.u32 s3, $0x3  }
0x16: {  	s8 =	sor.u32 $0x20, s3;
	s3 =	sshll.u32 s3, $0x7;
	s17 =	ssub.s32 s4, s15  }
0x17: {  	s4 =	sadd.s32 $0x700, s6;
	s15 =	simm.s32 $0x8900;
	s7 =	sadd.s32 s1, s7  }
0x18: {  	s9 =	sshrl.u32 s8, $0x3;
	s3 =	sadd.s32 s0, s3;
	s10 =	sshll.u32 s8, $0x7  }
0x19: {  	s8 =	simm.s32 $0x5;
	[dreg:$0x3] =	wrdreg s7;
	s5 =	sadd.s32 s1, s9  }
0x1a: {  	[dreg:$0x5] =	wrdreg s3;
	s0 =	sadd.s32 s0, s10;
	s3 =	sadd.s32 $0x600, s6  }
0x1b: {  	v2 =	vlaneseq.u32;
	s7 =	smax.u32 s17, $0x1;
	s9 =	simm.s32 $0x100;
	[dreg:$0x4] =	wrdreg s5  }
0x1c: {  	vm0 =	vmmov $0xffff;
	v1 =	vshrl.u32 v2, $0x3;
	s10 =	simm.s32 $0x8100;
	s17 =	simm.s32 $0x9900;
	[dreg:$0x6] =	wrdreg s0  }
0x1d: {  	v0 =	vand.u32 $0x7, v2;
	v2 =	vor.u32 $0x8, v2;
	v1 =	vmul.u32 $0x8, v1;
	s5 =	sadd.s32 $0x800, s6;
	s6 =	sadd.s32 $0x900, s6;
	s0 =	simm.s32 $0x4  }
.LBB2_1:
0x1e: {  	s1 =	rddreg [dreg:$0x3]  }
0x1f: {  	[tilespmem:s2], [sflag:$0x5] =	stream.linear.gather [hbm4b:s1+s2], $0x20, $0x38;
	[tilespmem:$0x10100] =	vst v63  }
0x20: {  	_ =	swait.ge [sflag:s8], $0x20  }
0x21: {  	s1 =	rddreg [dreg:$0x4];
	[sflag:s8] =	ssyncset.done $0x0  }
0x22: {  	s12 =	rddreg [dreg:$0x7];
	[sflag:s8] =	ssyncadd.s32 $0xFFFFFFE0  }
0x23: {  	[tilespmem:s12], [sflag:$0x5] =	stream.linear.gather [hbm4b:s1+s2], $0x20, $0x38;
	[tilespmem:$0x10100] =	vst v63  }
0x24: {  	_ =	swait.ge [sflag:s8], $0x20  }
0x25: {  	[sflag:s8] =	ssyncset.done $0x0  }
0x26: {  	s1 =	rddreg [dreg:$0x5];
	[sflag:s8] =	ssyncadd.s32 $0xFFFFFFE0  }
0x27: {  	[tilespmem:s9], [sflag:$0x1] =	stream.linear.gather [hbm4b:s1+s2], $0x8000, $0x38;
	[tilespmem:$0x10100] =	vst v63  }
0x28: {  	s12 =	rddreg [dreg:$0x6]  }
0x29: {  	[tilespmem:s10], [sflag:$0x2] =	stream.linear.gather [hbm4b:s12+s2], $0x8000, $0x38;
	[tilespmem:$0x10100] =	vst v63  }
0x2a: {  	_ =	swait.ge [sflag:s11], $0x8000  }
0x2b: {  	[sflag:s11] =	ssyncset.done $0x0  }
0x2c: {  	[sflag:s11] =	ssyncadd.s32 $0xFFFF8000  }
0x2d: {  	v3 =	vld [tilespmem:$0x0];
	_ =	sdelay $0x4  }
0x2e: {  	v4 =	vshll.u32 v3, $0x3  }
0x2f: {  	v3 =	vand.u32 $0x7, v3;
	v4 =	vand.u32 $0xFFFFFFC0, v4  }
0x30: {  	v3 =	vor.u32 v3, v4  }
0x31: {  	v4 =	vperm.xlane v3, v0;
	_ =	sdelay $0x1  }
0x32: {  	v4 =	vadd.s32 v1, v4;
	_ =	sdelay $0x4  }
0x33: {  	[hbm4b:s3+s2] =	stream.indirect_vreg.scatter [tilespmem:s9], [sflag:$0x3], $0x80, v4, vm0, $0xb8;
	[tilespmem:$0x10100] =	vst v63  }
0x34: {  	s1 =	rddreg [dreg:$0x8];
	v3 =	vperm.xlane v3, v2  }
0x35: {  	[hbm4b:s4+s2] =	stream.indirect_vreg.scatter [tilespmem:s1], [sflag:$0x3], $0x80, v4, vm0, $0xb8;
	[tilespmem:$0x10100] =	vst v63  }
0x36: {  	s12 =	rddreg [dreg:$0x9];
	v3 =	vadd.s32 v1, v3  }
0x37: {  	[hbm4b:s5+s2] =	stream.indirect_vreg.scatter [tilespmem:s12], [sflag:$0x3], $0x80, v4, vm0, $0xb8;
	[tilespmem:$0x10100] =	vst v63  }
0x38: {  	s1 =	rddreg [dreg:$0xa]  }
0x39: {  	[hbm4b:s6+s2] =	stream.indirect_vreg.scatter [tilespmem:s1], [sflag:$0x3], $0x80, v4, vm0, $0xb8;
	[tilespmem:$0x10100] =	vst v63  }
0x3a: {  	s12 =	rddreg [dreg:$0xb]  }
0x3b: {  	[hbm4b:s3+s2] =	stream.indirect_vreg.scatter [tilespmem:s12], [sflag:$0x3], $0x80, v3, vm0, $0xb8;
	[tilespmem:$0x10100] =	vst v63  }
0x3c: {  	s1 =	rddreg [dreg:$0xc]  }
0x3d: {  	[hbm4b:s4+s2] =	stream.indirect_vreg.scatter [tilespmem:s1], [sflag:$0x3], $0x80, v3, vm0, $0xb8;
	[tilespmem:$0x10100] =	vst v63  }
0x3e: {  	s12 =	rddreg [dreg:$0xd]  }
0x3f: {  	[hbm4b:s5+s2] =	stream.indirect_vreg.scatter [tilespmem:s12], [sflag:$0x3], $0x80, v3, vm0, $0xb8;
	[tilespmem:$0x10100] =	vst v63  }
0x40: {  	s1 =	rddreg [dreg:$0xe]  }
0x41: {  	[hbm4b:s6+s2] =	stream.indirect_vreg.scatter [tilespmem:s1], [sflag:$0x3], $0x80, v3, vm0, $0xb8;
	[tilespmem:$0x10100] =	vst v63  }
0x42: {  	v3 =	vld [tilespmem:$0x10];
	_ =	sdelay $0x4  }
0x43: {  	v61 =	vshll.u32 v3, $0x3  }
0x44: {  	v3 =	vand.u32 $0x7, v3;
	v4 =	vand.u32 $0xFFFFFFC0, v61  }
0x45: {  	v3 =	vor.u32 v3, v4  }
0x46: {  	v4 =	vperm.xlane v3, v0;
	_ =	sdelay $0x1  }
0x47: {  	v4 =	vadd.s32 v1, v4;
	_ =	sdelay $0x3  }
0x48: {  	s1 =	rddreg [dreg:$0xf]  }
0x49: {  	[hbm4b:s3+s2] =	stream.indirect_vreg.scatter [tilespmem:s1], [sflag:$0x3], $0x80, v4, vm0, $0xb8;
	[tilespmem:$0x10100] =	vst v63  }
0x4a: {  	s12 =	rddreg [dreg:$0x10];
	v3 =	vperm.xlane v3, v2  }
0x4b: {  	[hbm4b:s4+s2] =	stream.indirect_vreg.scatter [tilespmem:s12], [sflag:$0x3], $0x80, v4, vm0, $0xb8;
	[tilespmem:$0x10100] =	vst v63  }
0x4c: {  	v3 =	vadd.s32 v1, v3;
	s1 =	rddreg [dreg:$0x11]  }
0x4d: {  	[hbm4b:s5+s2] =	stream.indirect_vreg.scatter [tilespmem:s1], [sflag:$0x3], $0x80, v4, vm0, $0xb8;
	[tilespmem:$0x10100] =	vst v63  }
0x4e: {  	s12 =	rddreg [dreg:$0x12]  }
0x4f: {  	[hbm4b:s6+s2] =	stream.indirect_vreg.scatter [tilespmem:s12], [sflag:$0x3], $0x80, v4, vm0, $0xb8;
	[tilespmem:$0x10100] =	vst v63  }
0x50: {  	s1 =	rddreg [dreg:$0x13]  }
0x51: {  	[hbm4b:s3+s2] =	stream.indirect_vreg.scatter [tilespmem:s1], [sflag:$0x3], $0x80, v3, vm0, $0xb8;
	[tilespmem:$0x10100] =	vst v63  }
0x52: {  	s12 =	rddreg [dreg:$0x14]  }
0x53: {  	[hbm4b:s4+s2] =	stream.indirect_vreg.scatter [tilespmem:s12], [sflag:$0x3], $0x80, v3, vm0, $0xb8;
	[tilespmem:$0x10100] =	vst v63  }
0x54: {  	s12 =	simm.s32 $0x7100  }
0x55: {  	[hbm4b:s5+s2] =	stream.indirect_vreg.scatter [tilespmem:s12], [sflag:$0x3], $0x80, v3, vm0, $0xb8;
	[tilespmem:$0x10100] =	vst v63  }
0x56: {  	_ = 	snop  }
0x57: {  	[hbm4b:s6+s2] =	stream.indirect_vreg.scatter [tilespmem:s13], [sflag:$0x3], $0x80, v3, vm0, $0xb8;
	[tilespmem:$0x10100] =	vst v63  }
0x58: {  	_ =	swait.ge [sflag:s14], $0x8000  }
0x59: {  	[sflag:s14] =	ssyncset.done $0x0  }
0x5a: {  	[sflag:s14] =	ssyncadd.s32 $0xFFFF8000  }
0x5b: {  	v3 =	vld [tilespmem:$0x80];
	_ =	sdelay $0x4  }
0x5c: {  	v62 =	vshll.u32 v3, $0x3  }
0x5d: {  	v3 =	vand.u32 $0x7, v3;
	v4 =	vand.u32 $0xFFFFFFC0, v62  }
0x5e: {  	v3 =	vor.u32 v3, v4  }
0x5f: {  	v4 =	vperm.xlane v3, v0;
	_ =	sdelay $0x1  }
0x60: {  	v4 =	vadd.s32 v1, v4;
	_ =	sdelay $0x4  }
0x61: {  	[hbm4b:s3+s2] =	stream.indirect_vreg.scatter [tilespmem:s10], [sflag:$0x4], $0x80, v4, vm0, $0xb8;
	[tilespmem:$0x10100] =	vst v63  }
0x62: {  	v3 =	vperm.xlane v3, v2  }
0x63: {  	[hbm4b:s4+s2] =	stream.indirect_vreg.scatter [tilespmem:s15], [sflag:$0x4], $0x80, v4, vm0, $0xb8;
	[tilespmem:$0x10100] =	vst v63  }
0x64: {  	v3 =	vadd.s32 v1, v3  }
0x65: {  	[hbm4b:s5+s2] =	stream.indirect_vreg.scatter [tilespmem:s16], [sflag:$0x4], $0x80, v4, vm0, $0xb8;
	[tilespmem:$0x10100] =	vst v63  }
0x66: {  	_ = 	snop  }
0x67: {  	[hbm4b:s6+s2] =	stream.indirect_vreg.scatter [tilespmem:s17], [sflag:$0x4], $0x80, v4, vm0, $0xb8;
	[tilespmem:$0x10100] =	vst v63  }
0x68: {  	_ = 	snop  }
0x69: {  	[hbm4b:s3+s2] =	stream.indirect_vreg.scatter [tilespmem:s18], [sflag:$0x4], $0x80, v3, vm0, $0xb8;
	[tilespmem:$0x10100] =	vst v63  }
0x6a: {  	_ = 	snop  }
0x6b: {  	[hbm4b:s4+s2] =	stream.indirect_vreg.scatter [tilespmem:s19], [sflag:$0x4], $0x80, v3, vm0, $0xb8;
	[tilespmem:$0x10100] =	vst v63  }
0x6c: {  	_ = 	snop  }
0x6d: {  	[hbm4b:s5+s2] =	stream.indirect_vreg.scatter [tilespmem:s20], [sflag:$0x4], $0x80, v3, vm0, $0xb8;
	[tilespmem:$0x10100] =	vst v63  }
0x6e: {  	_ = 	snop  }
0x6f: {  	[hbm4b:s6+s2] =	stream.indirect_vreg.scatter [tilespmem:s21], [sflag:$0x4], $0x80, v3, vm0, $0xb8;
	[tilespmem:$0x10100] =	vst v63  }
0x70: {  	v3 =	vld [tilespmem:$0x90];
	_ =	sdelay $0x4  }
0x71: {  	v63 =	vshll.u32 v3, $0x3  }
0x72: {  	v3 =	vand.u32 $0x7, v3;
	v4 =	vand.u32 $0xFFFFFFC0, v63  }
0x73: {  	v3 =	vor.u32 v3, v4  }
0x74: {  	v4 =	vperm.xlane v3, v0;
	_ =	sdelay $0x1  }
0x75: {  	v4 =	vadd.s32 v1, v4;
	_ =	sdelay $0x4  }
0x76: {  	[hbm4b:s3+s2] =	stream.indirect_vreg.scatter [tilespmem:s22], [sflag:$0x4], $0x80, v4, vm0, $0xb8;
	[tilespmem:$0x10100] =	vst v63  }
0x77: {  	v3 =	vperm.xlane v3, v2  }
0x78: {  	[hbm4b:s4+s2] =	stream.indirect_vreg.scatter [tilespmem:s23], [sflag:$0x4], $0x80, v4, vm0, $0xb8;
	[tilespmem:$0x10100] =	vst v63  }
0x79: {  	v3 =	vadd.s32 v1, v3  }
0x7a: {  	[hbm4b:s5+s2] =	stream.indirect_vreg.scatter [tilespmem:s24], [sflag:$0x4], $0x80, v4, vm0, $0xb8;
	[tilespmem:$0x10100] =	vst v63  }
0x7b: {  	_ = 	snop  }
0x7c: {  	[hbm4b:s6+s2] =	stream.indirect_vreg.scatter [tilespmem:s25], [sflag:$0x4], $0x80, v4, vm0, $0xb8;
	[tilespmem:$0x10100] =	vst v63  }
0x7d: {  	_ = 	snop  }
0x7e: {  	[hbm4b:s3+s2] =	stream.indirect_vreg.scatter [tilespmem:s26], [sflag:$0x4], $0x80, v3, vm0, $0xb8;
	[tilespmem:$0x10100] =	vst v63  }
0x7f: {  	_ = 	snop  }
0x80: {  	[hbm4b:s4+s2] =	stream.indirect_vreg.scatter [tilespmem:s28], [sflag:$0x4], $0x80, v3, vm0, $0xb8;
	[tilespmem:$0x10100] =	vst v63  }
0x81: {  	_ = 	snop  }
0x82: {  	[hbm4b:s5+s2] =	stream.indirect_vreg.scatter [tilespmem:s29], [sflag:$0x4], $0x80, v3, vm0, $0xb8;
	[tilespmem:$0x10100] =	vst v63  }
0x83: {  	_ = 	snop  }
0x84: {  	[hbm4b:s6+s2] =	stream.indirect_vreg.scatter [tilespmem:s30], [sflag:$0x4], $0x80, v3, vm0, $0xb8;
	[tilespmem:$0x10100] =	vst v63  }
0x85: {  	p0 =	sne.s32 s7, $0x1;
	_ =	swait.ge [sflag:s31], $0x8000  }
.Ltmp0:
0x86: {  	[sflag:s31] =	ssyncset.done $0x0;
	(pc) =	sbr.rel @p0 .LBB2_1-.Ltmp0, $4  }
0x87: {  	[sflag:s31] =	ssyncadd.s32 $0xFFFF8000  }
0x88: {  	_ =	swait.ge [sflag:s0], $0x8000  }
0x89: {  	[sflag:s0] =	ssyncset.done $0x0  }
0x8a: {  	s7 =	sadd.s32 $0xFFFFFFFF, s7;
	[sflag:s0] =	ssyncadd.s32 $0xFFFF8000  }
0x8b: {  	_ =	sfence.sel $0x180000  }
0x8c: {  	[bflag:$0x0] =	sbarrier.arrive $0xFFFF  }
0x8d: {  	_ =	strace $0x90000047  }
0x8e: {  	s0 =	stileid.u32;
	[bflag:$0x2] =	sbarrier.arrive $0xFFFF  }
0x8f: {  	p0 =	sne.s32 s0, $0x0;
	s0 =	rddreg [dreg:$0x2]  }
0x90: {  	s0 =	sadd.s32 @!p0 $0x100000, s0  }
0x91: {  	[sflag:s0] =	ssyncadd.tile.s32 @!p0 $0x1;
	_ =	shalt  }
.Lfunc_end2:
_tile_overlayer_lowered:
.L_overlay_start_2:
0x92: {  	(tag) =	ssettag $0x2  }
0x93: {  	s0 =	rddreg [dreg:$0x0];
	s2 =	stileid.u32  }
0x94: {  	s1 =	rddreg [dreg:$0x1];
	p0 =	sne.s32 s2, $0x0  }
0x95: {  	s3 =	rddreg [dreg:$0x2];
	[bflag:$0x3] =	sbarrier.arrive $0xFFFF;
	s2 =	simm.s32 @!p0 $0x1C05  }
0x96: {  	[timem:s3], [sflag:s2] =	dma.local @!p0 [hbm:s0], s1  }
0x97: {  	s0 =	simm.s32 @!p0 $0x5  }
0x98: {  	_ =	swait.ge @!p0 [sflag:s0], s1  }
0x99: {  	s1 =	ssub.s32 @!p0 $0x0, s1;
	[sflag:s0] =	ssyncset.done @!p0 $0x0  }
0x9a: {  	[sflag:s0] =	ssyncadd.s32 @!p0 s1  }
0x9b: {  	[bflag:$0x3] =	sbarrier.arrive $0xFFFF  }
0x9c: {  	_ =	shalt  }

// kernel: kernel.9.cloned.1.call-start
scs
__scs_entry_jumppad:
0x0: {  	(pc) =	sbr.rel $0x88, $3  }
0x1: {  	(tag) =	ssettag $0x0;
	lr =	simm.s32 $0x1  }
0x2: {  	[smem:$0x3F9C] =	sst lr;
	_ =	strace $0xD0000000  }
0x3: {  	_ = 	snop  }
0x4: {  	_ = 	snop  }
0x5: {  	_ = 	snop  }
0x6: {  	_ = 	snop  }
0x7: {  	_ = 	snop  }
__scs_overlays_trampoline_lowered:
0x8: {  	[smem:$0x3FAB] =	sst s0  }
0x9: {  	[smem:$0x3FAC] =	sst s1  }
0xa: {  	[smem:$0x3FAD] =	sst s2  }
0xb: {  	[smem:$0x3FAE] =	sst s3  }
0xc: {  	[smem:$0x3FAF] =	sst s4  }
0xd: {  	[smem:$0x3FB0] =	sst s5  }
0xe: {  	[smem:$0x3FB1] =	sst s6  }
0xf: {  	[smem:$0x3FB2] =	sst s7  }
0x10: {  	[smem:$0x3FB3] =	sst s8  }
0x11: {  	[smem:$0x3FB4] =	sst s9;
	s0 =	simm.s32 @!p0 $0x0  }
0x12: {  	s1 =	sld [smem:$0x3F9A];
	s0 =	simm.s32 @p0 $0x1  }
0x13: {  	[smem:$0x3FB5] =	sst s0;
	s0 =	simm.s32 @!p1 $0x0  }
0x14: {  	s2 =	sld [smem:$0x3F99];
	s0 =	simm.s32 @p1 $0x1  }
0x15: {  	[smem:$0x3FB6] =	sst s0;
	s0 =	simm.s32 @!p2 $0x0  }
0x16: {  	s3 =	sld [smem:$0x3FDB];
	s0 =	simm.s32 @p2 $0x1  }
0x17: {  	s4 =	simm.s32 $0x1BF5;
	[smem:$0x3FB8] =	sst s0  }
0x18: {  	s0 =	sld [smem:$0x3F9B];
	_ =	swait.ge [sflag:s4], $0x0  }
0x19: {  	s7 =	sld [smem:$0x3F9C]  }
0x1a: {  	s8 =	sadd.s32 $0xFFFFE003, lr  }
0x1b: {  	s9 =	sadd.s32 $0xFFFFFEF7, lr;
	s5 =	simm.s32 $0xFFFFFFFF;
	p2 =	slt.u32 s8, $0xFFFFF086  }
0x1c: {  	p1 =	slt.u32 s9, $0xF7A;
	s5 =	simm.s32 @!p2 $0x0  }
0x1d: {  	s5 =	simm.s32 @p1 $0x1;
	p0 =	seq.s32 s7, s2  }
0x1e: {  	s7 =	smul.u32 @!p0 $0xF7A, s2;
	p2 =	seq.s32 @!p0 s5, $0x0  }
0x1f: {  	s9 =	smul.u32 $0xF7A, s1;
	s8 =	simm.s32 @!p0 $0x1BF5;
	p2 =	por !p2, p0  }
0x20: {  	[sflag:s8] =	ssyncset.s32 @!p0 $0xFFFFF086;
	s6 =	sadd.s32 @!p0 s3, s7;
	s7 =	simm.s32 @!p0 $0x108  }
0x21: {  	s3 =	sadd.s32 s3, s9;
	s6 =	sadd.s32 @!p0 $0x88, s6;
	s7 =	simm.s32 @p2 $0x1082  }
0x22: {  	[simem:s7], [sflag:s8] =	dma.local @!p0 [hbm:s6], $0xF7A  }
0x23: {  	s9 =	sor.u32 $0xD0000000, s2;
	s6 =	simm.s32 $0x108;
	_ =	swait.ge @!p0 [sflag:s8], $0x0  }
0x24: {  	s3 =	sadd.s32 $0x88, s3;
	s6 =	simm.s32 @!p1 $0x1082;
	[sflag:s4] =	ssyncset.s32 $0xFFFFF086  }
0x25: {  	[simem:s6], [sflag:s4] =	dma.local [hbm:s3], $0xF7A  }
0x26: {  	[smem:$0x3F9C] =	sst s1;
	(tag) =	ssettag s2;
	_ =	strace s9  }
0x27: {  	s1 =	sld [smem:$0x3FAC]  }
0x28: {  	s2 =	sld [smem:$0x3FAD]  }
0x29: {  	s4 =	sld [smem:$0x3FAF]  }
0x2a: {  	p0 =	seq.s32 s5, $0x0;
	s5 =	sld [smem:$0x3FB0]  }
0x2b: {  	s6 =	sld [smem:$0x3FB1]  }
0x2c: {  	s7 =	sld [smem:$0x3FB2]  }
0x2d: {  	s3 =	simm.s32 $0x108;
	s8 =	sld [smem:$0x3FB3]  }
0x2e: {  	s3 =	simm.s32 @!p0 $0x1082;
	s9 =	sld [smem:$0x3FB4]  }
0x2f: {  	lr =	sadd.s32 s0, s3;
	s0 =	sld [smem:$0x3FAB]  }
0x30: {  	s3 =	sld [smem:$0x3FAE]  }
0x31: {  	[smem:$0x3FB7] =	sst s10  }
0x32: {  	s10 =	sld [smem:$0x3FB5];
	_ =	sdelay $0x3  }
0x33: {  	p0 =	seq.s32 s10, $0x1;
	s10 =	sld [smem:$0x3FB7];
	_ =	sdelay $0x3  }
0x34: {  	[smem:$0x3FB7] =	sst s10  }
0x35: {  	s10 =	sld [smem:$0x3FB6];
	_ =	sdelay $0x3  }
0x36: {  	p1 =	seq.s32 s10, $0x1;
	s10 =	sld [smem:$0x3FB7];
	_ =	sdelay $0x3  }
0x37: {  	[smem:$0x3FB7] =	sst s10  }
0x38: {  	s10 =	sld [smem:$0x3FB8]  }
0x39: {  	_ = 	snop;
	(pc) =	sbr.ind lr, $3  }
0x3a: {  	_ = 	snop  }
0x3b: {  	_ = 	snop  }
0x3c: {  	p2 =	seq.s32 s10, $0x1;
	s10 =	sld [smem:$0x3FB7]  }
0x3d: {  	_ =	shalt  }
0x3e: {  	_ =	shalt  }
0x3f: {  	_ =	shalt  }
0x40: {  	_ =	shalt  }
0x41: {  	_ =	shalt  }
0x42: {  	_ =	shalt  }
0x43: {  	_ =	shalt  }
0x44: {  	_ =	shalt  }
0x45: {  	_ =	shalt  }
0x46: {  	_ =	shalt  }
0x47: {  	_ =	shalt  }
0x48: {  	_ =	shalt  }
0x49: {  	_ =	shalt  }
0x4a: {  	_ =	shalt  }
0x4b: {  	_ =	shalt  }
0x4c: {  	_ =	shalt  }
0x4d: {  	_ =	shalt  }
0x4e: {  	_ =	shalt  }
0x4f: {  	_ =	shalt  }
0x50: {  	_ =	shalt  }
0x51: {  	_ =	shalt  }
0x52: {  	_ =	shalt  }
0x53: {  	_ =	shalt  }
0x54: {  	_ =	shalt  }
0x55: {  	_ =	shalt  }
0x56: {  	_ =	shalt  }
0x57: {  	_ =	shalt  }
0x58: {  	_ =	shalt  }
0x59: {  	_ =	shalt  }
0x5a: {  	_ =	shalt  }
0x5b: {  	_ =	shalt  }
0x5c: {  	_ =	shalt  }
0x5d: {  	_ =	shalt  }
0x5e: {  	_ =	shalt  }
0x5f: {  	_ =	shalt  }
0x60: {  	_ =	shalt  }
0x61: {  	_ =	shalt  }
0x62: {  	_ =	shalt  }
0x63: {  	_ =	shalt  }
0x64: {  	_ =	shalt  }
0x65: {  	_ =	shalt  }
0x66: {  	_ =	shalt  }
0x67: {  	_ =	shalt  }
0x68: {  	_ =	shalt  }
0x69: {  	_ =	shalt  }
0x6a: {  	_ =	shalt  }
0x6b: {  	_ =	shalt  }
0x6c: {  	_ =	shalt  }
0x6d: {  	_ =	shalt  }
0x6e: {  	_ =	shalt  }
0x6f: {  	_ =	shalt  }
0x70: {  	_ =	shalt  }
0x71: {  	_ =	shalt  }
0x72: {  	_ =	shalt  }
0x73: {  	_ =	shalt  }
0x74: {  	_ =	shalt  }
0x75: {  	_ =	shalt  }
0x76: {  	_ =	shalt  }
0x77: {  	_ =	shalt  }
0x78: {  	_ =	shalt  }
0x79: {  	_ =	shalt  }
0x7a: {  	_ =	shalt  }
0x7b: {  	_ =	shalt  }
0x7c: {  	_ =	shalt  }
0x7d: {  	_ =	shalt  }
0x7e: {  	_ =	shalt  }
0x7f: {  	_ =	shalt  }
0x80: {  	_ =	shalt  }
0x81: {  	_ =	shalt  }
0x82: {  	_ =	shalt  }
0x83: {  	_ =	shalt  }
0x84: {  	_ =	shalt  }
0x85: {  	_ =	shalt  }
0x86: {  	_ =	shalt  }
0x87: {  	_ =	shalt  }
.Lfunc_end0:
.L_simem_size_0:
called_computation.1_lowered:
.L_overlay_start_0:
0x88: {  	s2 =	sld [smem:$0x3FD9]  }
0x89: {  	s3 =	sld [smem:$0x3FFE];
	_ =	sdelay $0x1  }
0x8a: {  	s1 =	srdreg.scid  }
0x8b: {  	s0 =	sand.u32 $0x1, s1  }
0x8c: {  	s17 =	sshll.u32 s0, $0xA;
	s2 =	sadd.s32 s3, s2  }
0x8d: {  	s2 =	sadd.s32 s2, s17  }
0x8e: {  	[smem:$0x3FC3] =	sst s2  }
0x8f: {  	_ = 	snop  }
0x90: {  	s2 =	sld [smem:$0x3FD0];
	(tm) =	ssettm $0x1  }
0x91: {  	s18 =	sld [smem:$0x3FFB];
	_ =	sdelay $0x3  }
0x92: {  	_ =	strace s18  }
0x93: {  	s3 =	sld [smem:$0x3FFC];
	_ =	sdelay $0x3  }
0x94: {  	_ =	strace s3  }
0x95: {  	s3 =	sld [smem:$0x3FFD];
	_ =	sdelay $0x3  }
0x96: {  	_ =	strace s3  }
0x97: {  	_ =	strace $0x8FFFFFFF  }
0x98: {  	s19 =	sld [smem:$0x3FDB];
	_ =	sdelay $0x1  }
0x99: {  	s4 =	simm.s32 $_scs_section_size  }
0x9a: {  	s5 =	simm.s32 $_size__tile_overlayer_lowered;
	s6 =	simm.s32 $_tile_overlayer_lowered  }
0x9b: {  	s22 =	simm.s32 $0x1BFF;
	s21 =	sshll.u32 s6, $0x1;
	s3 =	sadd.s32 s4, s19  }
0x9c: {  	s7 =	simm.s32 $0x0;
	s20 =	sshll.u32 s5, $0x1;
	s5 =	sadd.s32 s21, s3  }
0x9d: {  	[timem:s7], [sflag:s22] =	dma.local [hbm:s5], s20  }
0x9e: {  	_ =	swait.ge [sflag:s22], s20  }
0x9f: {  	s4 =	ssub.s32 $0x0, s20;
	[sflag:s22] =	ssyncset.done $0x0  }
0xa0: {  	[sflag:s22] =	ssyncadd.s32 s4;
	_ =	sdelay $0x1  }
0xa1: {  	s23 =	simm.s32 $0x1B8B  }
0xa2: {  	_ =	swait.ge [sflag:s23], $0x1  }
0xa3: {  	[sflag:s23] =	ssyncset.done $0x0  }
0xa4: {  	s25 =	simm.s32 $0x1B8E;
	s24 =	sld [smem:$0x3FFE];
	[sflag:s23] =	ssyncadd.s32 $0xFFFFFFFF  }
0xa5: {  	s26 =	simm.s32 $execute0_lowered;
	[smem:$0x3FD2] =	sst s25  }
0xa6: {  	s5 =	sshll.u32 s26, $0x1;
	_ =	strace $0x80000049;
	[dreg:$0x1] =	wrdreg $0xFFFFFFFF  }
0xa7: {  	s28 =	simm.s32 $_size_execute0_lowered;
	s3 =	sadd.s32 s3, s5;
	[dreg:$0x0] =	wrdreg $0x0  }
0xa8: {  	s5 =	sshll.u32 s28, $0x1;
	[dreg:$0x2] =	wrdreg s3  }
0xa9: {  	[dreg:$0x3] =	wrdreg s5  }
0xaa: {  	[dreg:$0x4] =	wrdreg $0xC0  }
0xab: {  	_ =	task [dreg:s7], $0x5FFFF  }
0xac: {  	[dreg:$0x1] =	wrdreg $0xFFFFFFFF  }
0xad: {  	[dreg:$0x0] =	wrdreg $0x60  }
0xae: {  	[dreg:$0x2] =	wrdreg s24  }
0xaf: {  	[dreg:$0x3] =	wrdreg s2  }
0xb0: {  	[dreg:$0x4] =	wrdreg $0x9  }
0xb1: {  	_ =	task.clear_ibuf [dreg:s7], $0x5FFFF;
	_ =	strace $0x90000049  }
0xb2: {  	s29 =	simm.s32 $0x9;
	_ =	strace $0x8000004B  }
0xb3: {  	_ =	swait.ge [sflag:s29], $0x1  }
0xb4: {  	[sflag:s29] =	ssyncadd.s32 $0xFFFFFFFF  }
0xb5: {  	_ =	strace $0x9000004B  }
0xb6: {  	_ =	sfence  }
0xb7: {  	s30 =	sld [smem:$0x0];
	_ =	sdelay $0x2  }
0xb8: {  	s31 =	sshll.u32 s1, $0xD;
	s1 =	sshrl.u32 s1, $0x2  }
0xb9: {  	s3 =	sand.u32 $0x4000, s31;
	s1 =	sadd.s32 s1, s30  }
0xba: {  	s0 =	sor.u32 s3, s0;
	s1 =	sshll.u32 s1, $0x11  }
0xbb: {  	s0 =	sor.u32 s1, s0  }
0xbc: {  	s0 =	sadd.s32 $0x8F2B, s0  }
0xbd: {  	[sflag:s0] =	ssyncadd.remote.s32 $0x1  }
0xbe: {  	_ =	sfence.sel $0xFFFF  }
0xbf: {  	[dreg:$0x0] =	wrdreg $0xFFFFFFFF;
	(pc) =	sbr.abs _section_cstart, $3  }
0xc0: {  	[dreg:$0x1] =	wrdreg $0xFFFFFFFF  }
0xc1: {  	_ =	task.clear_ibuf [dreg:s7], $0x2FFFF;
	_ =	strace $0x9FFFFFFF  }
0xc2: {  	(tm) =	ssettm $0x7FFFFFFF  }
0xc3: {  	_ =	shalt  }
tec
execute0_lowered:
.L_overlay_start_1:
0x0: {  	(tag) =	ssettag $0x1  }
0x1: {  	s0 =	rddreg [dreg:$0x0];
	s2 =	srdreg.scid  }
0x2: {  	s3 =	rddreg [dreg:$0x1];
	s4 =	sand.u32 $0x1, s2;
	s2 =	simm.s32 $0x0  }
0x3: {  	s11 =	simm.s32 $0x80;
	[smem:$0x7FF] =	sst s2  }
0x4: {  	s12 =	simm.s32 $0x900;
	_ =	strace $0x8000004A;
	[dreg:$0x7] =	wrdreg s11  }
0x5: {  	s13 =	simm.s32 $0x1100;
	[dreg:$0x8] =	wrdreg s12  }
0x6: {  	s1 =	stileid.u32;
	s14 =	simm.s32 $0x1900;
	[dreg:$0x9] =	wrdreg s13  }
0x7: {  	s15 =	simm.s32 $0x2100;
	s16 =	simm.s32 $0x2900;
	[dreg:$0xa] =	wrdreg s14  }
0x8: {  	s17 =	simm.s32 $0x3100;
	s19 =	simm.s32 $0x3900;
	[dreg:$0xb] =	wrdreg s15  }
0x9: {  	s21 =	simm.s32 $0x4100;
	s22 =	simm.s32 $0x4900;
	[dreg:$0xc] =	wrdreg s16  }
0xa: {  	s23 =	simm.s32 $0x5100;
	s24 =	simm.s32 $0x5900;
	[dreg:$0xd] =	wrdreg s17  }
0xb: {  	s25 =	simm.s32 $0x6100;
	s26 =	simm.s32 $0x6900;
	[dreg:$0xe] =	wrdreg s19  }
0xc: {  	s28 =	simm.s32 $0xF900;
	s29 =	simm.s32 $0x1;
	[dreg:$0xf] =	wrdreg s21  }
0xd: {  	s30 =	simm.s32 $0x2;
	s31 =	simm.s32 $0x3;
	[dreg:$0x10] =	wrdreg s22  }
0xe: {  	s5 =	sshll.u32 s1, $0x7;
	s1 =	sadd.s32 $0x400, s0;
	[dreg:$0x11] =	wrdreg s23  }
0xf: {  	s6 =	sshll.u32 s4, $0x6;
	s4 =	ssub.s32 $0x2, s4;
	[dreg:$0x12] =	wrdreg s24  }
0x10: {  	s5 =	sor.u32 s6, s5;
	s18 =	sshrl.u32 s4, $0x1;
	[dreg:$0x13] =	wrdreg s25  }
0x11: {  	[dreg:$0x14] =	wrdreg s26;
	s11 =	simm.s32 $0x7900;
	s12 =	simm.s32 $0x8100  }
0x12: {  	s13 =	simm.s32 $0x8900;
	s14 =	simm.s32 $0x9100;
	s15 =	simm.s32 $0x9900  }
0x13: {  	s16 =	simm.s32 $0xA100;
	s17 =	simm.s32 $0xA900;
	s19 =	simm.s32 $0xB900  }
0x14: {  	s21 =	simm.s32 $0xC900;
	s22 =	simm.s32 $0xD100;
	s23 =	simm.s32 $0xD900  }
0x15: {  	s24 =	simm.s32 $0xE100;
	s25 =	simm.s32 $0xE900;
	s26 =	simm.s32 $0xF100  }
0x16: {  	s7 =	sshrl.u32 s5, $0x3;
	s8 =	sor.u32 $0x20, s5;
	s5 =	sshll.u32 s5, $0x7  }
0x17: {  	s20 =	ssub.s32 s4, s18;
	s4 =	sadd.s32 $0xC0700, s0;
	s18 =	simm.s32 $0xB100  }
0x18: {  	s7 =	sadd.s32 s1, s7;
	s9 =	sshrl.u32 s8, $0x3;
	s5 =	sadd.s32 s3, s5  }
0x19: {  	s10 =	sshll.u32 s8, $0x7;
	s8 =	simm.s32 $0x5;
	[dreg:$0x3] =	wrdreg s7  }
0x1a: {  	s6 =	sadd.s32 s1, s9;
	[dreg:$0x5] =	wrdreg s5;
	s3 =	sadd.s32 s3, s10  }
0x1b: {  	v2 =	vlaneseq.u32;
	s5 =	sadd.s32 $0xC0800, s0;
	s7 =	smax.u32 s20, $0x1;
	[dreg:$0x4] =	wrdreg s6  }
0x1c: {  	vm0 =	vmmov $0xffff;
	v1 =	vshrl.u32 v2, $0x3;
	s9 =	simm.s32 $0x100;
	s20 =	simm.s32 $0xC100;
	[dreg:$0x6] =	wrdreg s3  }
0x1d: {  	v0 =	vand.u32 $0x7, v2;
	v2 =	vor.u32 $0x8, v2;
	v1 =	vmul.u32 $0x8, v1;
	s3 =	sadd.s32 $0xC0600, s0;
	s6 =	sadd.s32 $0xC0900, s0;
	s0 =	simm.s32 $0x4  }
.LBB2_1:
0x1e: {  	s1 =	rddreg [dreg:$0x3]  }
0x1f: {  	[tilespmem:s2], [sflag:$0x5] =	stream.linear.gather [hbm4b:s1+s2], $0x20, $0x38;
	[tilespmem:$0x10100] =	vst v63  }
0x20: {  	_ =	swait.ge [sflag:s8], $0x20  }
0x21: {  	s1 =	rddreg [dreg:$0x4];
	[sflag:s8] =	ssyncset.done $0x0  }
0x22: {  	s10 =	rddreg [dreg:$0x7];
	[sflag:s8] =	ssyncadd.s32 $0xFFFFFFE0  }
0x23: {  	[tilespmem:s10], [sflag:$0x5] =	stream.linear.gather [hbm4b:s1+s2], $0x20, $0x38;
	[tilespmem:$0x10100] =	vst v63  }
0x24: {  	_ =	swait.ge [sflag:s8], $0x20  }
0x25: {  	[sflag:s8] =	ssyncset.done $0x0  }
0x26: {  	[sflag:s8] =	ssyncadd.s32 $0xFFFFFFE0  }
0x27: {  	v3 =	vld [tilespmem:$0x0];
	_ =	sdelay $0x4  }
0x28: {  	v4 =	vshll.u32 v3, $0x3  }
0x29: {  	v3 =	vand.u32 $0x7, v3;
	v4 =	vand.u32 $0xFFFFFFC0, v4  }
0x2a: {  	v3 =	vor.u32 v3, v4  }
0x2b: {  	v4 =	vperm.xlane v3, v0;
	_ =	sdelay $0x1  }
0x2c: {  	v4 =	vadd.s32 v1, v4;
	_ =	sdelay $0x4  }
0x2d: {  	[tilespmem:s9], [sflag:$0x1] =	stream.indirect_vreg.gather [hbm4b:s3+s2], $0x80, v4, vm0, $0xb8;
	[tilespmem:$0x10100] =	vst v63  }
0x2e: {  	s1 =	rddreg [dreg:$0x8];
	v3 =	vperm.xlane v3, v2  }
0x2f: {  	[tilespmem:s1], [sflag:$0x1] =	stream.indirect_vreg.gather [hbm4b:s4+s2], $0x80, v4, vm0, $0xb8;
	[tilespmem:$0x10100] =	vst v63  }
0x30: {  	s10 =	rddreg [dreg:$0x9];
	v3 =	vadd.s32 v1, v3  }
0x31: {  	[tilespmem:s10], [sflag:$0x1] =	stream.indirect_vreg.gather [hbm4b:s5+s2], $0x80, v4, vm0, $0xb8;
	[tilespmem:$0x10100] =	vst v63  }
0x32: {  	s1 =	rddreg [dreg:$0xa]  }
0x33: {  	[tilespmem:s1], [sflag:$0x1] =	stream.indirect_vreg.gather [hbm4b:s6+s2], $0x80, v4, vm0, $0xb8;
	[tilespmem:$0x10100] =	vst v63  }
0x34: {  	s10 =	rddreg [dreg:$0xb]  }
0x35: {  	[tilespmem:s10], [sflag:$0x1] =	stream.indirect_vreg.gather [hbm4b:s3+s2], $0x80, v3, vm0, $0xb8;
	[tilespmem:$0x10100] =	vst v63  }
0x36: {  	s1 =	rddreg [dreg:$0xc]  }
0x37: {  	[tilespmem:s1], [sflag:$0x1] =	stream.indirect_vreg.gather [hbm4b:s4+s2], $0x80, v3, vm0, $0xb8;
	[tilespmem:$0x10100] =	vst v63  }
0x38: {  	s10 =	rddreg [dreg:$0xd]  }
0x39: {  	[tilespmem:s10], [sflag:$0x1] =	stream.indirect_vreg.gather [hbm4b:s5+s2], $0x80, v3, vm0, $0xb8;
	[tilespmem:$0x10100] =	vst v63  }
0x3a: {  	s1 =	rddreg [dreg:$0xe]  }
0x3b: {  	[tilespmem:s1], [sflag:$0x1] =	stream.indirect_vreg.gather [hbm4b:s6+s2], $0x80, v3, vm0, $0xb8;
	[tilespmem:$0x10100] =	vst v63  }
0x3c: {  	v3 =	vld [tilespmem:$0x10];
	_ =	sdelay $0x4  }
0x3d: {  	v61 =	vshll.u32 v3, $0x3  }
0x3e: {  	v3 =	vand.u32 $0x7, v3;
	v4 =	vand.u32 $0xFFFFFFC0, v61  }
0x3f: {  	v3 =	vor.u32 v3, v4  }
0x40: {  	v4 =	vperm.xlane v3, v0;
	_ =	sdelay $0x1  }
0x41: {  	v4 =	vadd.s32 v1, v4;
	_ =	sdelay $0x3  }
0x42: {  	s1 =	rddreg [dreg:$0xf]  }
0x43: {  	[tilespmem:s1], [sflag:$0x1] =	stream.indirect_vreg.gather [hbm4b:s3+s2], $0x80, v4, vm0, $0xb8;
	[tilespmem:$0x10100] =	vst v63  }
0x44: {  	s10 =	rddreg [dreg:$0x10];
	v3 =	vperm.xlane v3, v2  }
0x45: {  	[tilespmem:s10], [sflag:$0x1] =	stream.indirect_vreg.gather [hbm4b:s4+s2], $0x80, v4, vm0, $0xb8;
	[tilespmem:$0x10100] =	vst v63  }
0x46: {  	v3 =	vadd.s32 v1, v3;
	s1 =	rddreg [dreg:$0x11]  }
0x47: {  	[tilespmem:s1], [sflag:$0x1] =	stream.indirect_vreg.gather [hbm4b:s5+s2], $0x80, v4, vm0, $0xb8;
	[tilespmem:$0x10100] =	vst v63  }
0x48: {  	s10 =	rddreg [dreg:$0x12]  }
0x49: {  	[tilespmem:s10], [sflag:$0x1] =	stream.indirect_vreg.gather [hbm4b:s6+s2], $0x80, v4, vm0, $0xb8;
	[tilespmem:$0x10100] =	vst v63  }
0x4a: {  	s1 =	rddreg [dreg:$0x13]  }
0x4b: {  	[tilespmem:s1], [sflag:$0x1] =	stream.indirect_vreg.gather [hbm4b:s3+s2], $0x80, v3, vm0, $0xb8;
	[tilespmem:$0x10100] =	vst v63  }
0x4c: {  	s10 =	rddreg [dreg:$0x14]  }
0x4d: {  	[tilespmem:s10], [sflag:$0x1] =	stream.indirect_vreg.gather [hbm4b:s4+s2], $0x80, v3, vm0, $0xb8;
	[tilespmem:$0x10100] =	vst v63  }
0x4e: {  	s10 =	simm.s32 $0x7100  }
0x4f: {  	[tilespmem:s10], [sflag:$0x1] =	stream.indirect_vreg.gather [hbm4b:s5+s2], $0x80, v3, vm0, $0xb8;
	[tilespmem:$0x10100] =	vst v63  }
0x50: {  	_ = 	snop  }
0x51: {  	[tilespmem:s11], [sflag:$0x1] =	stream.indirect_vreg.gather [hbm4b:s6+s2], $0x80, v3, vm0, $0xb8;
	[tilespmem:$0x10100] =	vst v63  }
0x52: {  	v3 =	vld [tilespmem:$0x80];
	_ =	sdelay $0x4  }
0x53: {  	v62 =	vshll.u32 v3, $0x3  }
0x54: {  	v3 =	vand.u32 $0x7, v3;
	v4 =	vand.u32 $0xFFFFFFC0, v62  }
0x55: {  	v3 =	vor.u32 v3, v4  }
0x56: {  	v4 =	vperm.xlane v3, v0;
	_ =	sdelay $0x1  }
0x57: {  	v4 =	vadd.s32 v1, v4;
	_ =	sdelay $0x4  }
0x58: {  	[tilespmem:s12], [sflag:$0x2] =	stream.indirect_vreg.gather [hbm4b:s3+s2], $0x80, v4, vm0, $0xb8;
	[tilespmem:$0x10100] =	vst v63  }
0x59: {  	v3 =	vperm.xlane v3, v2  }
0x5a: {  	[tilespmem:s13], [sflag:$0x2] =	stream.indirect_vreg.gather [hbm4b:s4+s2], $0x80, v4, vm0, $0xb8;
	[tilespmem:$0x10100] =	vst v63  }
0x5b: {  	v3 =	vadd.s32 v1, v3  }
0x5c: {  	[tilespmem:s14], [sflag:$0x2] =	stream.indirect_vreg.gather [hbm4b:s5+s2], $0x80, v4, vm0, $0xb8;
	[tilespmem:$0x10100] =	vst v63  }
0x5d: {  	_ = 	snop  }
0x5e: {  	[tilespmem:s15], [sflag:$0x2] =	stream.indirect_vreg.gather [hbm4b:s6+s2], $0x80, v4, vm0, $0xb8;
	[tilespmem:$0x10100] =	vst v63  }
0x5f: {  	_ = 	snop  }
0x60: {  	[tilespmem:s16], [sflag:$0x2] =	stream.indirect_vreg.gather [hbm4b:s3+s2], $0x80, v3, vm0, $0xb8;
	[tilespmem:$0x10100] =	vst v63  }
0x61: {  	_ = 	snop  }
0x62: {  	[tilespmem:s17], [sflag:$0x2] =	stream.indirect_vreg.gather [hbm4b:s4+s2], $0x80, v3, vm0, $0xb8;
	[tilespmem:$0x10100] =	vst v63  }
0x63: {  	_ = 	snop  }
0x64: {  	[tilespmem:s18], [sflag:$0x2] =	stream.indirect_vreg.gather [hbm4b:s5+s2], $0x80, v3, vm0, $0xb8;
	[tilespmem:$0x10100] =	vst v63  }
0x65: {  	_ = 	snop  }
0x66: {  	[tilespmem:s19], [sflag:$0x2] =	stream.indirect_vreg.gather [hbm4b:s6+s2], $0x80, v3, vm0, $0xb8;
	[tilespmem:$0x10100] =	vst v63  }
0x67: {  	v3 =	vld [tilespmem:$0x90];
	_ =	sdelay $0x4  }
0x68: {  	v63 =	vshll.u32 v3, $0x3  }
0x69: {  	v3 =	vand.u32 $0x7, v3;
	v4 =	vand.u32 $0xFFFFFFC0, v63  }
0x6a: {  	v3 =	vor.u32 v3, v4  }
0x6b: {  	v4 =	vperm.xlane v3, v0;
	_ =	sdelay $0x1  }
0x6c: {  	v4 =	vadd.s32 v1, v4;
	_ =	sdelay $0x4  }
0x6d: {  	[tilespmem:s20], [sflag:$0x2] =	stream.indirect_vreg.gather [hbm4b:s3+s2], $0x80, v4, vm0, $0xb8;
	[tilespmem:$0x10100] =	vst v63  }
0x6e: {  	v3 =	vperm.xlane v3, v2  }
0x6f: {  	[tilespmem:s21], [sflag:$0x2] =	stream.indirect_vreg.gather [hbm4b:s4+s2], $0x80, v4, vm0, $0xb8;
	[tilespmem:$0x10100] =	vst v63  }
0x70: {  	v3 =	vadd.s32 v1, v3  }
0x71: {  	[tilespmem:s22], [sflag:$0x2] =	stream.indirect_vreg.gather [hbm4b:s5+s2], $0x80, v4, vm0, $0xb8;
	[tilespmem:$0x10100] =	vst v63  }
0x72: {  	_ = 	snop  }
0x73: {  	[tilespmem:s23], [sflag:$0x2] =	stream.indirect_vreg.gather [hbm4b:s6+s2], $0x80, v4, vm0, $0xb8;
	[tilespmem:$0x10100] =	vst v63  }
0x74: {  	_ = 	snop  }
0x75: {  	[tilespmem:s24], [sflag:$0x2] =	stream.indirect_vreg.gather [hbm4b:s3+s2], $0x80, v3, vm0, $0xb8;
	[tilespmem:$0x10100] =	vst v63  }
0x76: {  	_ = 	snop  }
0x77: {  	[tilespmem:s25], [sflag:$0x2] =	stream.indirect_vreg.gather [hbm4b:s4+s2], $0x80, v3, vm0, $0xb8;
	[tilespmem:$0x10100] =	vst v63  }
0x78: {  	_ = 	snop  }
0x79: {  	[tilespmem:s26], [sflag:$0x2] =	stream.indirect_vreg.gather [hbm4b:s5+s2], $0x80, v3, vm0, $0xb8;
	[tilespmem:$0x10100] =	vst v63  }
0x7a: {  	_ = 	snop  }
0x7b: {  	[tilespmem:s28], [sflag:$0x2] =	stream.indirect_vreg.gather [hbm4b:s6+s2], $0x80, v3, vm0, $0xb8;
	[tilespmem:$0x10100] =	vst v63  }
0x7c: {  	_ =	swait.ge [sflag:s29], $0x8000  }
0x7d: {  	[sflag:s29] =	ssyncset.done $0x0  }
0x7e: {  	s10 =	rddreg [dreg:$0x5];
	[sflag:s29] =	ssyncadd.s32 $0xFFFF8000  }
0x7f: {  	[hbm4b:s10+s2] =	stream.linear.scatter [tilespmem:s9], [sflag:$0x3], $0x8000, $0x38;
	[tilespmem:$0x10100] =	vst v63  }
0x80: {  	_ =	swait.ge [sflag:s30], $0x8000  }
0x81: {  	[sflag:s30] =	ssyncset.done $0x0  }
0x82: {  	s10 =	rddreg [dreg:$0x6];
	[sflag:s30] =	ssyncadd.s32 $0xFFFF8000  }
0x83: {  	[hbm4b:s10+s2] =	stream.linear.scatter [tilespmem:s12], [sflag:$0x4], $0x8000, $0x38;
	[tilespmem:$0x10100] =	vst v63  }
0x84: {  	p0 =	sne.s32 s7, $0x1;
	_ =	swait.ge [sflag:s31], $0x8000  }
.Ltmp0:
0x85: {  	[sflag:s31] =	ssyncset.done $0x0;
	(pc) =	sbr.rel @p0 .LBB2_1-.Ltmp0, $4  }
0x86: {  	[sflag:s31] =	ssyncadd.s32 $0xFFFF8000  }
0x87: {  	_ =	swait.ge [sflag:s0], $0x8000  }
0x88: {  	[sflag:s0] =	ssyncset.done $0x0  }
0x89: {  	s7 =	sadd.s32 $0xFFFFFFFF, s7;
	[sflag:s0] =	ssyncadd.s32 $0xFFFF8000  }
0x8a: {  	_ =	sfence.sel $0x180000  }
0x8b: {  	[bflag:$0x0] =	sbarrier.arrive $0xFFFF  }
0x8c: {  	_ =	strace $0x9000004A  }
0x8d: {  	s0 =	stileid.u32;
	[bflag:$0x2] =	sbarrier.arrive $0xFFFF  }
0x8e: {  	p0 =	sne.s32 s0, $0x0;
	s0 =	rddreg [dreg:$0x2]  }
0x8f: {  	s0 =	sadd.s32 @!p0 $0x100000, s0  }
0x90: {  	[sflag:s0] =	ssyncadd.tile.s32 @!p0 $0x1;
	_ =	shalt  }
.Lfunc_end2:
_tile_overlayer_lowered:
.L_overlay_start_2:
0x91: {  	(tag) =	ssettag $0x2  }
0x92: {  	s0 =	rddreg [dreg:$0x0];
	s2 =	stileid.u32  }
0x93: {  	s1 =	rddreg [dreg:$0x1];
	p0 =	sne.s32 s2, $0x0  }
0x94: {  	s3 =	rddreg [dreg:$0x2];
	[bflag:$0x3] =	sbarrier.arrive $0xFFFF;
	s2 =	simm.s32 @!p0 $0x1C05  }
0x95: {  	[timem:s3], [sflag:s2] =	dma.local @!p0 [hbm:s0], s1  }
0x96: {  	s0 =	simm.s32 @!p0 $0x5  }
0x97: {  	_ =	swait.ge @!p0 [sflag:s0], s1  }
0x98: {  	s1 =	ssub.s32 @!p0 $0x0, s1;
	[sflag:s0] =	ssyncset.done @!p0 $0x0  }
0x99: {  	[sflag:s0] =	ssyncadd.s32 @!p0 s1  }
0x9a: {  	[bflag:$0x3] =	sbarrier.arrive $0xFFFF  }
0x9b: {  	_ =	shalt  }

</sc_bundles>
